<compile_context>
chip_gen: v7x
topology: tpu7x:2x2x1
jax: 0.10.2.dev20260603
libtpu: 0.0.44.dev20260713+nightly
codegen_flags: <defaults>
</compile_context>

<pallas_src>
import functools

import jax
import jax.numpy as jnp
from jax import lax
from jax.experimental import pallas as pl
from jax.experimental.pallas import tpu as pltpu
from jax.experimental.pallas import tpu_sc as plsc

N = 10000
E = 320000
D = 128
NCLS = 16

NC = 2
NS = 16
K = 128
CHE = 160
EPT = K * CHE
EPAD = NS * EPT

BLK = 512
NPAD = 10240
HALF = NPAD // NC
DUMMY = 128
ACC_ROWS = HALF + DUMMY
ART = ACC_ROWS // NS
ORT = HALF // NS
GRID = NPAD // BLK


@functools.cache
def _sc_spmm_kernel():
    mesh = plsc.VectorSubcoreMesh(
        core_axis_name="c", subcore_axis_name="s",
        num_cores=NC, num_subcores=NS)
    return functools.partial(
        pl.kernel,
        out_type=jax.ShapeDtypeStruct((NC, HALF, D), jnp.float32),
        mesh=mesh,
        scratch_types=[
            pltpu.VMEM((CHE, K), jnp.int32),
            pltpu.VMEM((CHE, K), jnp.int32),
            pltpu.VMEM((K, D), jnp.float32),
            pltpu.VMEM((K, D), jnp.float32),
            pltpu.VMEM_SHARED((ACC_ROWS, D), jnp.float32),
            pltpu.SemaphoreType.DMA,
            pltpu.SemaphoreType.DMA,
        ],
    )(_sc_spmm_body)


def _sc_spmm_call(hp, srcs, dstm, zer128):
    return _sc_spmm_kernel()(hp, srcs, dstm, zer128)


def _sc_spmm_body(hp_hbm, srcs_hbm, dstm_hbm, zer_hbm, out_hbm,
                  src_v, dst_v, g0, g1, acc, sem0, sem1):
    c = lax.axis_index("c")
    s = lax.axis_index("s")
    def zslab(t, _):
        pltpu.sync_copy(zer_hbm, acc.at[pl.ds(s * ART + t * 82, 82)])
        return 0
    lax.fori_loop(0, ART // 82, zslab, 0)
    pltpu.sync_copy(srcs_hbm.at[s], src_v)
    pltpu.sync_copy(dstm_hbm.at[c, s], dst_v)
    plsc.subcore_barrier()
    pltpu.async_copy(hp_hbm.at[src_v.at[0]], g0, sem0)
    def step(j, _):
        pltpu.async_copy(hp_hbm.at[src_v.at[2 * j + 1]], g1, sem1)
        pltpu.make_async_copy(hp_hbm.at[src_v.at[2 * j]], g0, sem0).wait()
        pltpu.sync_copy(g0, acc.at[dst_v.at[2 * j]], add=True)
        @pl.when(j < CHE // 2 - 1)
        def _():
            pltpu.async_copy(hp_hbm.at[src_v.at[2 * j + 2]], g0, sem0)
        pltpu.make_async_copy(hp_hbm.at[src_v.at[2 * j + 1]], g1, sem1).wait()
        pltpu.sync_copy(g1, acc.at[dst_v.at[2 * j + 1]], add=True)
        return 0
    lax.fori_loop(0, CHE // 2, step, 0)
    plsc.subcore_barrier()
    pltpu.sync_copy(
        acc.at[pl.ds(s * ORT, ORT)],
        out_hbm.at[c, pl.ds(s * ORT, ORT)],
    )



RMBLK = 256


def _tc_remap_body(dst_ref, o_ref):
    v = dst_ref[...]
    for core in range(NC):
        base = core * HALF
        ok = (v >= base) & (v < base + HALF)
        o_ref[core] = jnp.where(ok, v - base, HALF + (v & (DUMMY - 1)))


_tc_remap = pl.pallas_call(
    _tc_remap_body,
    grid=(NS * CHE // RMBLK,),
    in_specs=[pl.BlockSpec((RMBLK, K), lambda i: (i, 0))],
    out_specs=pl.BlockSpec((NC, RMBLK, K), lambda i: (0, i, 0)),
    out_shape=jax.ShapeDtypeStruct((NC, NS * CHE, K), jnp.int32),
)


def _dinv_block(deg_ref, i):
    deg = deg_ref[:, 0:1] + 1.0
    dinv = lax.rsqrt(deg)
    rows = lax.broadcasted_iota(jnp.int32, (BLK, 1), 0) + i * BLK
    return jnp.where(rows < N, dinv, 0.0)


def _tc_pre_body(deg_ref, x_ref, w_ref, o_ref):
    i = pl.program_id(0)
    dinv = _dinv_block(deg_ref, i)
    h = jnp.dot(x_ref[...], w_ref[...], preferred_element_type=jnp.float32)
    o_ref[...] = h * dinv


def _tc_mid_body(deg_ref, p_ref, hp_ref, b_ref, w_ref, z_ref, o_ref):
    i = pl.program_id(0)
    dinv = _dinv_block(deg_ref, i)
    tot = p_ref[...] + hp_ref[...]
    z = jnp.maximum(tot * dinv + b_ref[...], 0.0)
    z_ref[...] = z
    o_ref[...] = jnp.dot(z, w_ref[...], preferred_element_type=jnp.float32) * dinv


def _tc_final_body(z_ref, wl_ref, bl_ref, o_ref):
    logits = jnp.dot(z_ref[...], wl_ref[...], preferred_element_type=jnp.float32) + bl_ref[...]
    m = jnp.max(logits, axis=-1, keepdims=True)
    lse = jnp.log(jnp.sum(jnp.exp(logits - m), axis=-1, keepdims=True)) + m
    o_ref[...] = logits - lse


_deg_spec = pl.BlockSpec((BLK, 16), lambda i: (i, 0))
_row_spec = pl.BlockSpec((BLK, D), lambda i: (i, 0))
_w_spec = pl.BlockSpec((D, D), lambda i: (0, 0))
_b_spec = pl.BlockSpec((1, D), lambda i: (0, 0))

_hp_shape = jax.ShapeDtypeStruct((NPAD, D), jnp.float32)

_tc_pre = pl.pallas_call(
    _tc_pre_body,
    grid=(GRID,),
    in_specs=[_deg_spec, _row_spec, _w_spec],
    out_specs=_row_spec,
    out_shape=_hp_shape,
)

_tc_mid = pl.pallas_call(
    _tc_mid_body,
    grid=(GRID,),
    in_specs=[_deg_spec, _row_spec, _row_spec, _b_spec, _w_spec],
    out_specs=[_row_spec, _row_spec],
    out_shape=[_hp_shape, _hp_shape],
)

_tc_final = pl.pallas_call(
    _tc_final_body,
    grid=(GRID,),
    in_specs=[
        _row_spec,
        pl.BlockSpec((D, NCLS), lambda i: (0, 0)),
        pl.BlockSpec((1, NCLS), lambda i: (0, 0)),
    ],
    out_specs=pl.BlockSpec((BLK, NCLS), lambda i: (i, 0)),
    out_shape=jax.ShapeDtypeStruct((NPAD, NCLS), jnp.float32),
)


def kernel(x, edge_index, W1, b1, W2, b2, W3, b3, Wl, bl):
    src = edge_index[0]
    dst = edge_index[1]
    pad = jnp.full((EPAD - E,), N, jnp.int32)
    srcs = jnp.concatenate([src, pad]).reshape(NS, CHE, K)
    dsts = jnp.concatenate([dst, pad]).reshape(NS, CHE, K)
    x_pad = jnp.concatenate([x, jnp.zeros((NPAD - N, D), x.dtype)], axis=0)
    zer128 = jnp.zeros((82, D), jnp.float32)
    ones_full = jnp.ones((NPAD, D), jnp.float32)

    dstm = _tc_remap(dsts.reshape(NS * CHE, K)).reshape(NC, NS, CHE, K)
    deg = _sc_spmm_call(ones_full, srcs, dstm, zer128).reshape(NPAD, D)[:, :16]
    h1p = _tc_pre(deg, x_pad, W1)

    bs = jnp.stack([b1.reshape(1, D), b2.reshape(1, D), b3.reshape(1, D)])
    Wn = jnp.stack([W2, W3, jnp.zeros_like(W3)])
    trip = 3 + (x[0, 0] != x[0, 0]).astype(jnp.int32)

    def body(i, carry):
        hp, _ = carry
        p = _sc_spmm_call(hp, srcs, dstm, zer128).reshape(NPAD, D)
        b_l = lax.dynamic_index_in_dim(bs, i, 0, keepdims=False)
        Wn_l = lax.dynamic_index_in_dim(Wn, i, 0, keepdims=False)
        z, hp_next = _tc_mid(deg, p, hp, b_l, Wn_l)
        return (hp_next, z)

    _, z3 = lax.fori_loop(0, trip, body, (h1p, h1p))
    out_pad = _tc_final(z3, Wl, bl.reshape(1, NCLS))
    return out_pad[:N]

# --- scband reference (transcript-rebuilt; emitter-appended) ---
"""Pipeline reference for scband-server-gcn-21964462752543 (READ-ONLY COPY).

The authoritative reference and input builder live on the scoring server;
editing this copy changes nothing except your own understanding.
"""

import jax, jax.numpy as jnp
import numpy as np

N = 10000
E = 320000
D_IN = 128
NHID = 128
NCLS = 16


def setup_inputs(seed: int = 0) -> dict:
    key = jax.random.key(seed)
    ks = jax.random.split(key, 12)
    x = jax.random.normal(ks[0], (N, D_IN), dtype=jnp.float32)
    edge_index = jax.random.randint(ks[1], (2, E), 0, N, dtype=jnp.int32)
    def glorot(k, fan_in, fan_out):
        limit = jnp.sqrt(6.0 / (fan_in + fan_out))
        return jax.random.uniform(k, (fan_in, fan_out), dtype=jnp.float32, minval=-limit, maxval=limit)
    W1 = glorot(ks[2], D_IN, NHID)
    b1 = jnp.zeros((NHID,), dtype=jnp.float32)
    W2 = glorot(ks[3], NHID, NHID)
    b2 = jnp.zeros((NHID,), dtype=jnp.float32)
    W3 = glorot(ks[4], NHID, NHID)
    b3 = jnp.zeros((NHID,), dtype=jnp.float32)
    Wl = glorot(ks[5], NHID, NCLS)
    bl = jnp.zeros((NCLS,), dtype=jnp.float32)
    return {"x": x, "edge_index": edge_index, "W1": W1, "b1": b1, "W2": W2, "b2": b2, "W3": W3, "b3": b3, "Wl": Wl, "bl": bl}


def _gcn_conv(x, W, b, src, dst):
    # GCNConv: D^{-1/2} (A + I) D^{-1/2} X W + b (self loops already merged into src/dst)
    h = x @ W
    ones = jnp.ones(src.shape[0], dtype=x.dtype)
    deg = jax.ops.segment_sum(ones, dst, num_segments=N)
    dinv = jnp.where(deg > 0, deg ** -0.5, 0.0)
    norm = dinv[src] * dinv[dst]
    msg = h[src] * norm[:, None]
    out = jax.ops.segment_sum(msg, dst, num_segments=N)
    return out + b


def reference(x, edge_index, W1, b1, W2, b2, W3, b3, Wl, bl):
    loops = jnp.arange(N, dtype=edge_index.dtype)
    src = jnp.concatenate([edge_index[0], loops])
    dst = jnp.concatenate([edge_index[1], loops])
    h = jax.nn.relu(_gcn_conv(x, W1, b1, src, dst))
    # dropout omitted (eval mode / deterministic reference)
    h = jax.nn.relu(_gcn_conv(h, W2, b2, src, dst))
    h = jax.nn.relu(_gcn_conv(h, W3, b3, src, dst))
    logits = h @ Wl + bl
    return jax.nn.log_softmax(logits, axis=-1)

if __name__ == "__main__":
    import jax
    _d = setup_inputs()
    print(jax.jit(kernel)(*tuple(_d.values())))

</pallas_src>

<mosaic_0001>
#map = affine_map<(d0, d1) -> (0, 0)>
#map1 = affine_map<(d0, d1) -> (0, 0, 0)>
#map2 = affine_map<(d0, d1) -> (0, 0, 0, 0)>
module attributes {stable_mosaic.version = 14 : i64} {
  func.func @_sc_spmm_body(%arg0: i32, %arg1: i32, %arg2: memref<10240x128xf32, #tpu.memory_space<hbm>>, %arg3: memref<16x160x128xi32, #tpu.memory_space<hbm>>, %arg4: memref<2x16x160x128xi32, #tpu.memory_space<hbm>>, %arg5: memref<82x128xf32, #tpu.memory_space<hbm>>, %arg6: memref<2x5120x128xf32, #tpu.memory_space<hbm>>, %arg7: memref<160x128xi32, #tpu.memory_space<vmem>>, %arg8: memref<160x128xi32, #tpu.memory_space<vmem>>, %arg9: memref<128x128xf32, #tpu.memory_space<vmem>>, %arg10: memref<128x128xf32, #tpu.memory_space<vmem>>, %arg11: memref<5248x128xf32, #tpu.memory_space<vmem_shared>>, %arg12: memref<!tpu.dma_semaphore, #tpu.memory_space<semaphore_mem>>, %arg13: memref<!tpu.dma_semaphore, #tpu.memory_space<semaphore_mem>>) attributes {dimension_semantics = [#tpu.dimension_semantics<core_parallel>, #tpu.dimension_semantics<subcore_parallel>], iteration_bounds = array<i64: 2, 16>, scalar_prefetch = 0 : i64, scratch_operands = 7 : i64, tpu.core_type = #tpu.core_type<sc_vector_subcore>, window_params = [{transform_indices = #map}, {transform_indices = #map1}, {transform_indices = #map2}, {transform_indices = #map}, {transform_indices = #map1}]} {
    %scan3A = arith.constant 0 : i32
    %scan3A_0 = arith.constant 0 : i32
    %scan3A_1 = arith.constant 4 : i32
    %scan3A_2 = arith.addi %scan3A_0, %scan3A_1 : i32
    %scan3A_3 = arith.constant 1 : i32
    %scan3A_4 = scf.for %scan3A_23 = %scan3A_0 to %scan3A_2 step %scan3A_3 iter_args(%scan3A_24 = %scan3A) -> (i32)  : i32 {
      %mul3A_25 = arith.constant 328 : i32
      %mul3A_26 = arith.muli %arg1, %mul3A_25 : i32
      %mul3A_27 = arith.constant 82 : i32
      %mul3A_28 = arith.muli %scan3A_23, %mul3A_27 : i32
      %add3A = arith.addi %mul3A_26, %mul3A_28 : i32
      "tpu.region"() ({
        %run_scoped3A = tpu.sem_alloc : memref<!tpu.dma_semaphore, #tpu.memory_space<semaphore_mem>>
        %dma_start3A_30 = arith.constant 0 : i32
        %dma_start3A_31 = tpu.memref_slice %arg11[%add3A, %dma_start3A_30] : memref<5248x128xf32, #tpu.memory_space<vmem_shared>> -> memref<82x128xf32, #tpu.memory_space<vmem_shared>>
        tpu.enqueue_dma source(%arg5 : memref<82x128xf32, #tpu.memory_space<hbm>>) target(%dma_start3A_31 : memref<82x128xf32, #tpu.memory_space<vmem_shared>>) target_semaphore(%run_scoped3A : memref<!tpu.dma_semaphore, #tpu.memory_space<semaphore_mem>>)
        %dma_wait3A = arith.constant 0 : i32
        %dma_wait3A_32 = tpu.memref_slice %arg11[%add3A, %dma_wait3A] : memref<5248x128xf32, #tpu.memory_space<vmem_shared>> -> memref<82x128xf32, #tpu.memory_space<vmem_shared>>
        tpu.wait_dma2 semaphore(%run_scoped3A : memref<!tpu.dma_semaphore, #tpu.memory_space<semaphore_mem>>) src(%arg5 : memref<82x128xf32, #tpu.memory_space<hbm>>) dst(%dma_wait3A_32 : memref<82x128xf32, #tpu.memory_space<vmem_shared>>)
        tpu.yield
      }) : () -> ()
      %scan3A_29 = arith.constant 0 : i32
      scf.yield %scan3A_29 : i32
    }
    %scan3A_5 = arith.constant 4 : i32
    "tpu.region"() ({
      %run_scoped3A = tpu.sem_alloc : memref<!tpu.dma_semaphore, #tpu.memory_space<semaphore_mem>>
      %dma_start3A_23 = arith.constant 0 : i32
      %dma_start3A_24 = arith.constant 0 : i32
      %dma_start3A_25 = tpu.memref_slice %arg3[%arg1, %dma_start3A_23, %dma_start3A_24] : memref<16x160x128xi32, #tpu.memory_space<hbm>> -> memref<1x160x128xi32, #tpu.memory_space<hbm>>
      %dma_start3A_26 = tpu.memref_squeeze %dma_start3A_25 : memref<1x160x128xi32, #tpu.memory_space<hbm>> -> memref<160x128xi32, #tpu.memory_space<hbm>>
      %dma_start3A_27 = arith.constant 0 : i32
      %dma_start3A_28 = arith.constant 0 : i32
      %dma_start3A_29 = tpu.memref_slice %arg3[%arg1, %dma_start3A_27, %dma_start3A_28] : memref<16x160x128xi32, #tpu.memory_space<hbm>> -> memref<1x160x128xi32, #tpu.memory_space<hbm>>
      %dma_start3A_30 = tpu.memref_squeeze %dma_start3A_29 : memref<1x160x128xi32, #tpu.memory_space<hbm>> -> memref<160x128xi32, #tpu.memory_space<hbm>>
      tpu.enqueue_dma source(%dma_start3A_30 : memref<160x128xi32, #tpu.memory_space<hbm>>) target(%arg7 : memref<160x128xi32, #tpu.memory_space<vmem>>) target_semaphore(%run_scoped3A : memref<!tpu.dma_semaphore, #tpu.memory_space<semaphore_mem>>)
      %dma_wait3A = arith.constant 0 : i32
      %dma_wait3A_31 = arith.constant 0 : i32
      %dma_wait3A_32 = tpu.memref_slice %arg3[%arg1, %dma_wait3A, %dma_wait3A_31] : memref<16x160x128xi32, #tpu.memory_space<hbm>> -> memref<1x160x128xi32, #tpu.memory_space<hbm>>
      %dma_wait3A_33 = tpu.memref_squeeze %dma_wait3A_32 : memref<1x160x128xi32, #tpu.memory_space<hbm>> -> memref<160x128xi32, #tpu.memory_space<hbm>>
      %dma_wait3A_34 = arith.constant 0 : i32
      %dma_wait3A_35 = arith.constant 0 : i32
      %dma_wait3A_36 = tpu.memref_slice %arg3[%arg1, %dma_wait3A_34, %dma_wait3A_35] : memref<16x160x128xi32, #tpu.memory_space<hbm>> -> memref<1x160x128xi32, #tpu.memory_space<hbm>>
      %dma_wait3A_37 = tpu.memref_squeeze %dma_wait3A_36 : memref<1x160x128xi32, #tpu.memory_space<hbm>> -> memref<160x128xi32, #tpu.memory_space<hbm>>
      tpu.wait_dma2 semaphore(%run_scoped3A : memref<!tpu.dma_semaphore, #tpu.memory_space<semaphore_mem>>) src(%dma_wait3A_37 : memref<160x128xi32, #tpu.memory_space<hbm>>) dst(%arg7 : memref<160x128xi32, #tpu.memory_space<vmem>>)
      tpu.yield
    }) : () -> ()
    "tpu.region"() ({
      %run_scoped3A = tpu.sem_alloc : memref<!tpu.dma_semaphore, #tpu.memory_space<semaphore_mem>>
      %dma_start3A_23 = arith.constant 0 : i32
      %dma_start3A_24 = arith.constant 0 : i32
      %dma_start3A_25 = tpu.memref_slice %arg4[%arg0, %arg1, %dma_start3A_23, %dma_start3A_24] : memref<2x16x160x128xi32, #tpu.memory_space<hbm>> -> memref<1x1x160x128xi32, #tpu.memory_space<hbm>>
      %dma_start3A_26 = tpu.memref_squeeze %dma_start3A_25 : memref<1x1x160x128xi32, #tpu.memory_space<hbm>> -> memref<160x128xi32, #tpu.memory_space<hbm>>
      %dma_start3A_27 = arith.constant 0 : i32
      %dma_start3A_28 = arith.constant 0 : i32
      %dma_start3A_29 = tpu.memref_slice %arg4[%arg0, %arg1, %dma_start3A_27, %dma_start3A_28] : memref<2x16x160x128xi32, #tpu.memory_space<hbm>> -> memref<1x1x160x128xi32, #tpu.memory_space<hbm>>
      %dma_start3A_30 = tpu.memref_squeeze %dma_start3A_29 : memref<1x1x160x128xi32, #tpu.memory_space<hbm>> -> memref<160x128xi32, #tpu.memory_space<hbm>>
      tpu.enqueue_dma source(%dma_start3A_30 : memref<160x128xi32, #tpu.memory_space<hbm>>) target(%arg8 : memref<160x128xi32, #tpu.memory_space<vmem>>) target_semaphore(%run_scoped3A : memref<!tpu.dma_semaphore, #tpu.memory_space<semaphore_mem>>)
      %dma_wait3A = arith.constant 0 : i32
      %dma_wait3A_31 = arith.constant 0 : i32
      %dma_wait3A_32 = tpu.memref_slice %arg4[%arg0, %arg1, %dma_wait3A, %dma_wait3A_31] : memref<2x16x160x128xi32, #tpu.memory_space<hbm>> -> memref<1x1x160x128xi32, #tpu.memory_space<hbm>>
      %dma_wait3A_33 = tpu.memref_squeeze %dma_wait3A_32 : memref<1x1x160x128xi32, #tpu.memory_space<hbm>> -> memref<160x128xi32, #tpu.memory_space<hbm>>
      %dma_wait3A_34 = arith.constant 0 : i32
      %dma_wait3A_35 = arith.constant 0 : i32
      %dma_wait3A_36 = tpu.memref_slice %arg4[%arg0, %arg1, %dma_wait3A_34, %dma_wait3A_35] : memref<2x16x160x128xi32, #tpu.memory_space<hbm>> -> memref<1x1x160x128xi32, #tpu.memory_space<hbm>>
      %dma_wait3A_37 = tpu.memref_squeeze %dma_wait3A_36 : memref<1x1x160x128xi32, #tpu.memory_space<hbm>> -> memref<160x128xi32, #tpu.memory_space<hbm>>
      tpu.wait_dma2 semaphore(%run_scoped3A : memref<!tpu.dma_semaphore, #tpu.memory_space<semaphore_mem>>) src(%dma_wait3A_37 : memref<160x128xi32, #tpu.memory_space<hbm>>) dst(%arg8 : memref<160x128xi32, #tpu.memory_space<vmem>>)
      tpu.yield
    }) : () -> ()
    %barrier3A = arith.constant 0 : index
    tpu.barrier barrier_id(%barrier3A)
    %dma_start3A = arith.constant 0 : i32
    %dma_start3A_6 = arith.constant 0 : i32
    %dma_start3A_7 = tpu.memref_slice %arg7[%dma_start3A, %dma_start3A_6] : memref<160x128xi32, #tpu.memory_space<vmem>> -> memref<1x128xi32, #tpu.memory_space<vmem>>
    %dma_start3A_8 = tpu.memref_squeeze %dma_start3A_7 : memref<1x128xi32, #tpu.memory_space<vmem>> -> memref<128xi32, #tpu.memory_space<vmem>>
    %dma_start3A_9 = arith.constant 0 : i32
    %dma_start3A_10 = arith.constant 0 : i32
    %dma_start3A_11 = tpu.memref_slice %arg2[%dma_start3A_9, %dma_start3A_10] : memref<10240x128xf32, #tpu.memory_space<hbm>> -> memref<10240x128xf32, #tpu.memory_space<hbm>>
    tpu.enqueue_indirect_dma source(%dma_start3A_11 : memref<10240x128xf32, #tpu.memory_space<hbm>>) target(%arg9 : memref<128x128xf32, #tpu.memory_space<vmem>>) offsets(%dma_start3A_8 : memref<128xi32, #tpu.memory_space<vmem>>) semaphore(%arg12 : memref<!tpu.dma_semaphore, #tpu.memory_space<semaphore_mem>>)
    %scan3A_12 = arith.constant 0 : i32
    %scan3A_13 = arith.constant 0 : i32
    %scan3A_14 = arith.constant 80 : i32
    %scan3A_15 = arith.addi %scan3A_13, %scan3A_14 : i32
    %scan3A_16 = arith.constant 1 : i32
    %scan3A_17 = scf.for %scan3A_23 = %scan3A_13 to %scan3A_15 step %scan3A_16 iter_args(%scan3A_24 = %scan3A_12) -> (i32)  : i32 {
      %mul3A_25 = arith.constant 2 : i32
      %mul3A_26 = arith.muli %mul3A_25, %scan3A_23 : i32
      %add3A = arith.constant 1 : i32
      %add3A_27 = arith.addi %mul3A_26, %add3A : i32
      %dma_start3A_28 = arith.constant 0 : i32
      %dma_start3A_29 = tpu.memref_slice %arg7[%add3A_27, %dma_start3A_28] : memref<160x128xi32, #tpu.memory_space<vmem>> -> memref<1x128xi32, #tpu.memory_space<vmem>>
      %dma_start3A_30 = tpu.memref_squeeze %dma_start3A_29 : memref<1x128xi32, #tpu.memory_space<vmem>> -> memref<128xi32, #tpu.memory_space<vmem>>
      %dma_start3A_31 = arith.constant 0 : i32
      %dma_start3A_32 = arith.constant 0 : i32
      %dma_start3A_33 = tpu.memref_slice %arg2[%dma_start3A_31, %dma_start3A_32] : memref<10240x128xf32, #tpu.memory_space<hbm>> -> memref<10240x128xf32, #tpu.memory_space<hbm>>
      tpu.enqueue_indirect_dma source(%dma_start3A_33 : memref<10240x128xf32, #tpu.memory_space<hbm>>) target(%arg10 : memref<128x128xf32, #tpu.memory_space<vmem>>) offsets(%dma_start3A_30 : memref<128xi32, #tpu.memory_space<vmem>>) semaphore(%arg13 : memref<!tpu.dma_semaphore, #tpu.memory_space<semaphore_mem>>)
      %mul3A_34 = arith.constant 2 : i32
      %mul3A_35 = arith.muli %mul3A_34, %scan3A_23 : i32
      %dma_wait3A = arith.constant 0 : i32
      %dma_wait3A_36 = tpu.memref_slice %arg7[%mul3A_35, %dma_wait3A] : memref<160x128xi32, #tpu.memory_space<vmem>> -> memref<1x128xi32, #tpu.memory_space<vmem>>
      %dma_wait3A_37 = tpu.memref_squeeze %dma_wait3A_36 : memref<1x128xi32, #tpu.memory_space<vmem>> -> memref<128xi32, #tpu.memory_space<vmem>>
      %dma_wait3A_38 = arith.constant 0 : i32
      %dma_wait3A_39 = arith.constant 0 : i32
      %dma_wait3A_40 = tpu.memref_slice %arg2[%dma_wait3A_38, %dma_wait3A_39] : memref<10240x128xf32, #tpu.memory_space<hbm>> -> memref<10240x128xf32, #tpu.memory_space<hbm>>
      tpu.wait_indirect_dma semaphore(%arg12 : memref<!tpu.dma_semaphore, #tpu.memory_space<semaphore_mem>>) src(%dma_wait3A_40 : memref<10240x128xf32, #tpu.memory_space<hbm>>) dst(%arg9 : memref<128x128xf32, #tpu.memory_space<vmem>>)
      %mul3A_41 = arith.constant 2 : i32
      %mul3A_42 = arith.muli %mul3A_41, %scan3A_23 : i32
      "tpu.region"() ({
        %run_scoped3A = tpu.sem_alloc : memref<!tpu.dma_semaphore, #tpu.memory_space<semaphore_mem>>
        %dma_start3A_60 = arith.constant 0 : i32
        %dma_start3A_61 = tpu.memref_slice %arg8[%mul3A_42, %dma_start3A_60] : memref<160x128xi32, #tpu.memory_space<vmem>> -> memref<1x128xi32, #tpu.memory_space<vmem>>
        %dma_start3A_62 = tpu.memref_squeeze %dma_start3A_61 : memref<1x128xi32, #tpu.memory_space<vmem>> -> memref<128xi32, #tpu.memory_space<vmem>>
        %dma_start3A_63 = arith.constant 0 : i32
        %dma_start3A_64 = arith.constant 0 : i32
        %dma_start3A_65 = tpu.memref_slice %arg11[%dma_start3A_63, %dma_start3A_64] : memref<5248x128xf32, #tpu.memory_space<vmem_shared>> -> memref<5248x128xf32, #tpu.memory_space<vmem_shared>>
        tpu.enqueue_indirect_dma source(%arg9 : memref<128x128xf32, #tpu.memory_space<vmem>>) target(%dma_start3A_65 : memref<5248x128xf32, #tpu.memory_space<vmem_shared>>) offsets(%dma_start3A_62 : memref<128xi32, #tpu.memory_space<vmem>>) semaphore(%run_scoped3A : memref<!tpu.dma_semaphore, #tpu.memory_space<semaphore_mem>>) {add = true}
        %dma_wait3A_66 = arith.constant 0 : i32
        %dma_wait3A_67 = tpu.memref_slice %arg8[%mul3A_42, %dma_wait3A_66] : memref<160x128xi32, #tpu.memory_space<vmem>> -> memref<1x128xi32, #tpu.memory_space<vmem>>
        %dma_wait3A_68 = tpu.memref_squeeze %dma_wait3A_67 : memref<1x128xi32, #tpu.memory_space<vmem>> -> memref<128xi32, #tpu.memory_space<vmem>>
        %dma_wait3A_69 = arith.constant 0 : i32
        %dma_wait3A_70 = arith.constant 0 : i32
        %dma_wait3A_71 = tpu.memref_slice %arg11[%dma_wait3A_69, %dma_wait3A_70] : memref<5248x128xf32, #tpu.memory_space<vmem_shared>> -> memref<5248x128xf32, #tpu.memory_space<vmem_shared>>
        tpu.wait_indirect_dma semaphore(%run_scoped3A : memref<!tpu.dma_semaphore, #tpu.memory_space<semaphore_mem>>) src(%arg9 : memref<128x128xf32, #tpu.memory_space<vmem>>) dst(%dma_wait3A_71 : memref<5248x128xf32, #tpu.memory_space<vmem_shared>>)
        tpu.yield
      }) : () -> ()
      %lt3A = arith.constant 79 : i32
      %lt3A_43 = arith.cmpi slt, %scan3A_23, %lt3A : i32
      %convert_element_type3A = arith.extui %lt3A_43 : i1 to i32
      %cond3A = arith.constant 0 : i32
      %cond3A_44 = arith.cmpi ne, %convert_element_type3A, %cond3A : i32
      scf.if %cond3A_44 {
        %mul3A_60 = arith.constant 2 : i32
        %mul3A_61 = arith.muli %mul3A_60, %scan3A_23 : i32
        %add3A_62 = arith.constant 2 : i32
        %add3A_63 = arith.addi %mul3A_61, %add3A_62 : i32
        %dma_start3A_64 = arith.constant 0 : i32
        %dma_start3A_65 = tpu.memref_slice %arg7[%add3A_63, %dma_start3A_64] : memref<160x128xi32, #tpu.memory_space<vmem>> -> memref<1x128xi32, #tpu.memory_space<vmem>>
        %dma_start3A_66 = tpu.memref_squeeze %dma_start3A_65 : memref<1x128xi32, #tpu.memory_space<vmem>> -> memref<128xi32, #tpu.memory_space<vmem>>
        %dma_start3A_67 = arith.constant 0 : i32
        %dma_start3A_68 = arith.constant 0 : i32
        %dma_start3A_69 = tpu.memref_slice %arg2[%dma_start3A_67, %dma_start3A_68] : memref<10240x128xf32, #tpu.memory_space<hbm>> -> memref<10240x128xf32, #tpu.memory_space<hbm>>
        tpu.enqueue_indirect_dma source(%dma_start3A_69 : memref<10240x128xf32, #tpu.memory_space<hbm>>) target(%arg9 : memref<128x128xf32, #tpu.memory_space<vmem>>) offsets(%dma_start3A_66 : memref<128xi32, #tpu.memory_space<vmem>>) semaphore(%arg12 : memref<!tpu.dma_semaphore, #tpu.memory_space<semaphore_mem>>)
      } else {
      }
      %mul3A_45 = arith.constant 2 : i32
      %mul3A_46 = arith.muli %mul3A_45, %scan3A_23 : i32
      %add3A_47 = arith.constant 1 : i32
      %add3A_48 = arith.addi %mul3A_46, %add3A_47 : i32
      %dma_wait3A_49 = arith.constant 0 : i32
      %dma_wait3A_50 = tpu.memref_slice %arg7[%add3A_48, %dma_wait3A_49] : memref<160x128xi32, #tpu.memory_space<vmem>> -> memref<1x128xi32, #tpu.memory_space<vmem>>
      %dma_wait3A_51 = tpu.memref_squeeze %dma_wait3A_50 : memref<1x128xi32, #tpu.memory_space<vmem>> -> memref<128xi32, #tpu.memory_space<vmem>>
      %dma_wait3A_52 = arith.constant 0 : i32
      %dma_wait3A_53 = arith.constant 0 : i32
      %dma_wait3A_54 = tpu.memref_slice %arg2[%dma_wait3A_52, %dma_wait3A_53] : memref<10240x128xf32, #tpu.memory_space<hbm>> -> memref<10240x128xf32, #tpu.memory_space<hbm>>
      tpu.wait_indirect_dma semaphore(%arg13 : memref<!tpu.dma_semaphore, #tpu.memory_space<semaphore_mem>>) src(%dma_wait3A_54 : memref<10240x128xf32, #tpu.memory_space<hbm>>) dst(%arg10 : memref<128x128xf32, #tpu.memory_space<vmem>>)
      %mul3A_55 = arith.constant 2 : i32
      %mul3A_56 = arith.muli %mul3A_55, %scan3A_23 : i32
      %add3A_57 = arith.constant 1 : i32
      %add3A_58 = arith.addi %mul3A_56, %add3A_57 : i32
      "tpu.region"() ({
        %run_scoped3A = tpu.sem_alloc : memref<!tpu.dma_semaphore, #tpu.memory_space<semaphore_mem>>
        %dma_start3A_60 = arith.constant 0 : i32
        %dma_start3A_61 = tpu.memref_slice %arg8[%add3A_58, %dma_start3A_60] : memref<160x128xi32, #tpu.memory_space<vmem>> -> memref<1x128xi32, #tpu.memory_space<vmem>>
        %dma_start3A_62 = tpu.memref_squeeze %dma_start3A_61 : memref<1x128xi32, #tpu.memory_space<vmem>> -> memref<128xi32, #tpu.memory_space<vmem>>
        %dma_start3A_63 = arith.constant 0 : i32
        %dma_start3A_64 = arith.constant 0 : i32
        %dma_start3A_65 = tpu.memref_slice %arg11[%dma_start3A_63, %dma_start3A_64] : memref<5248x128xf32, #tpu.memory_space<vmem_shared>> -> memref<5248x128xf32, #tpu.memory_space<vmem_shared>>
        tpu.enqueue_indirect_dma source(%arg10 : memref<128x128xf32, #tpu.memory_space<vmem>>) target(%dma_start3A_65 : memref<5248x128xf32, #tpu.memory_space<vmem_shared>>) offsets(%dma_start3A_62 : memref<128xi32, #tpu.memory_space<vmem>>) semaphore(%run_scoped3A : memref<!tpu.dma_semaphore, #tpu.memory_space<semaphore_mem>>) {add = true}
        %dma_wait3A_66 = arith.constant 0 : i32
        %dma_wait3A_67 = tpu.memref_slice %arg8[%add3A_58, %dma_wait3A_66] : memref<160x128xi32, #tpu.memory_space<vmem>> -> memref<1x128xi32, #tpu.memory_space<vmem>>
        %dma_wait3A_68 = tpu.memref_squeeze %dma_wait3A_67 : memref<1x128xi32, #tpu.memory_space<vmem>> -> memref<128xi32, #tpu.memory_space<vmem>>
        %dma_wait3A_69 = arith.constant 0 : i32
        %dma_wait3A_70 = arith.constant 0 : i32
        %dma_wait3A_71 = tpu.memref_slice %arg11[%dma_wait3A_69, %dma_wait3A_70] : memref<5248x128xf32, #tpu.memory_space<vmem_shared>> -> memref<5248x128xf32, #tpu.memory_space<vmem_shared>>
        tpu.wait_indirect_dma semaphore(%run_scoped3A : memref<!tpu.dma_semaphore, #tpu.memory_space<semaphore_mem>>) src(%arg10 : memref<128x128xf32, #tpu.memory_space<vmem>>) dst(%dma_wait3A_71 : memref<5248x128xf32, #tpu.memory_space<vmem_shared>>)
        tpu.yield
      }) : () -> ()
      %scan3A_59 = arith.constant 0 : i32
      scf.yield %scan3A_59 : i32
    }
    %scan3A_18 = arith.constant 80 : i32
    %barrier3A_19 = arith.constant 0 : index
    tpu.barrier barrier_id(%barrier3A_19)
    %mul3A = arith.constant 320 : i32
    %mul3A_20 = arith.muli %arg1, %mul3A : i32
    %mul3A_21 = arith.constant 320 : i32
    %mul3A_22 = arith.muli %arg1, %mul3A_21 : i32
    "tpu.region"() ({
      %run_scoped3A = tpu.sem_alloc : memref<!tpu.dma_semaphore, #tpu.memory_space<semaphore_mem>>
      %dma_start3A_23 = arith.constant 0 : i32
      %dma_start3A_24 = tpu.memref_slice %arg6[%arg0, %mul3A_22, %dma_start3A_23] : memref<2x5120x128xf32, #tpu.memory_space<hbm>> -> memref<1x320x128xf32, #tpu.memory_space<hbm>>
      %dma_start3A_25 = tpu.memref_squeeze %dma_start3A_24 : memref<1x320x128xf32, #tpu.memory_space<hbm>> -> memref<320x128xf32, #tpu.memory_space<hbm>>
      %dma_start3A_26 = arith.constant 0 : i32
      %dma_start3A_27 = tpu.memref_slice %arg11[%mul3A_20, %dma_start3A_26] : memref<5248x128xf32, #tpu.memory_space<vmem_shared>> -> memref<320x128xf32, #tpu.memory_space<vmem_shared>>
      tpu.enqueue_dma source(%dma_start3A_27 : memref<320x128xf32, #tpu.memory_space<vmem_shared>>) target(%dma_start3A_25 : memref<320x128xf32, #tpu.memory_space<hbm>>) target_semaphore(%run_scoped3A : memref<!tpu.dma_semaphore, #tpu.memory_space<semaphore_mem>>)
      %dma_wait3A = arith.constant 0 : i32
      %dma_wait3A_28 = tpu.memref_slice %arg6[%arg0, %mul3A_22, %dma_wait3A] : memref<2x5120x128xf32, #tpu.memory_space<hbm>> -> memref<1x320x128xf32, #tpu.memory_space<hbm>>
      %dma_wait3A_29 = tpu.memref_squeeze %dma_wait3A_28 : memref<1x320x128xf32, #tpu.memory_space<hbm>> -> memref<320x128xf32, #tpu.memory_space<hbm>>
      %dma_wait3A_30 = arith.constant 0 : i32
      %dma_wait3A_31 = tpu.memref_slice %arg11[%mul3A_20, %dma_wait3A_30] : memref<5248x128xf32, #tpu.memory_space<vmem_shared>> -> memref<320x128xf32, #tpu.memory_space<vmem_shared>>
      tpu.wait_dma2 semaphore(%run_scoped3A : memref<!tpu.dma_semaphore, #tpu.memory_space<semaphore_mem>>) src(%dma_wait3A_31 : memref<320x128xf32, #tpu.memory_space<vmem_shared>>) dst(%dma_wait3A_29 : memref<320x128xf32, #tpu.memory_space<hbm>>)
      tpu.yield
    }) : () -> ()
    return
  }
}

#map = affine_map<(d0, d1) -> (0, 0)>
#map1 = affine_map<(d0, d1) -> (0, 0, 0)>
#map2 = affine_map<(d0, d1) -> (0, 0, 0, 0)>
module attributes {stable_mosaic.version = 14 : i64} {
  func.func @_sc_spmm_body(%arg0: i32, %arg1: i32, %arg2: memref<10240x128xf32, #tpu.memory_space<hbm>>, %arg3: memref<16x160x128xi32, #tpu.memory_space<hbm>>, %arg4: memref<2x16x160x128xi32, #tpu.memory_space<hbm>>, %arg5: memref<82x128xf32, #tpu.memory_space<hbm>>, %arg6: memref<2x5120x128xf32, #tpu.memory_space<hbm>>, %arg7: memref<160x128xi32, #tpu.memory_space<vmem>>, %arg8: memref<160x128xi32, #tpu.memory_space<vmem>>, %arg9: memref<128x128xf32, #tpu.memory_space<vmem>>, %arg10: memref<128x128xf32, #tpu.memory_space<vmem>>, %arg11: memref<5248x128xf32, #tpu.memory_space<vmem_shared>>, %arg12: memref<!tpu.dma_semaphore, #tpu.memory_space<semaphore_mem>>, %arg13: memref<!tpu.dma_semaphore, #tpu.memory_space<semaphore_mem>>) attributes {dimension_semantics = [#tpu.dimension_semantics<core_parallel>, #tpu.dimension_semantics<subcore_parallel>], iteration_bounds = array<i64: 2, 16>, scalar_prefetch = 0 : i64, scratch_operands = 7 : i64, tpu.core_type = #tpu.core_type<sc_vector_subcore>, window_params = [{transform_indices = #map}, {transform_indices = #map1}, {transform_indices = #map2}, {transform_indices = #map}, {transform_indices = #map1}]} {
    %scan3A = arith.constant 0 : i32
    %scan3A_0 = arith.constant 0 : i32
    %scan3A_1 = arith.constant 4 : i32
    %scan3A_2 = arith.addi %scan3A_0, %scan3A_1 : i32
    %scan3A_3 = arith.constant 1 : i32
    %scan3A_4 = scf.for %scan3A_23 = %scan3A_0 to %scan3A_2 step %scan3A_3 iter_args(%scan3A_24 = %scan3A) -> (i32)  : i32 {
      %mul3A_25 = arith.constant 328 : i32
      %mul3A_26 = arith.muli %arg1, %mul3A_25 : i32
      %mul3A_27 = arith.constant 82 : i32
      %mul3A_28 = arith.muli %scan3A_23, %mul3A_27 : i32
      %add3A = arith.addi %mul3A_26, %mul3A_28 : i32
      "tpu.region"() ({
        %run_scoped3A = tpu.sem_alloc : memref<!tpu.dma_semaphore, #tpu.memory_space<semaphore_mem>>
        %dma_start3A_30 = arith.constant 0 : i32
        %dma_start3A_31 = tpu.memref_slice %arg11[%add3A, %dma_start3A_30] : memref<5248x128xf32, #tpu.memory_space<vmem_shared>> -> memref<82x128xf32, #tpu.memory_space<vmem_shared>>
        tpu.enqueue_dma source(%arg5 : memref<82x128xf32, #tpu.memory_space<hbm>>) target(%dma_start3A_31 : memref<82x128xf32, #tpu.memory_space<vmem_shared>>) target_semaphore(%run_scoped3A : memref<!tpu.dma_semaphore, #tpu.memory_space<semaphore_mem>>)
        %dma_wait3A = arith.constant 0 : i32
        %dma_wait3A_32 = tpu.memref_slice %arg11[%add3A, %dma_wait3A] : memref<5248x128xf32, #tpu.memory_space<vmem_shared>> -> memref<82x128xf32, #tpu.memory_space<vmem_shared>>
        tpu.wait_dma2 semaphore(%run_scoped3A : memref<!tpu.dma_semaphore, #tpu.memory_space<semaphore_mem>>) src(%arg5 : memref<82x128xf32, #tpu.memory_space<hbm>>) dst(%dma_wait3A_32 : memref<82x128xf32, #tpu.memory_space<vmem_shared>>)
        tpu.yield
      }) : () -> ()
      %scan3A_29 = arith.constant 0 : i32
      scf.yield %scan3A_29 : i32
    }
    %scan3A_5 = arith.constant 4 : i32
    "tpu.region"() ({
      %run_scoped3A = tpu.sem_alloc : memref<!tpu.dma_semaphore, #tpu.memory_space<semaphore_mem>>
      %dma_start3A_23 = arith.constant 0 : i32
      %dma_start3A_24 = arith.constant 0 : i32
      %dma_start3A_25 = tpu.memref_slice %arg3[%arg1, %dma_start3A_23, %dma_start3A_24] : memref<16x160x128xi32, #tpu.memory_space<hbm>> -> memref<1x160x128xi32, #tpu.memory_space<hbm>>
      %dma_start3A_26 = tpu.memref_squeeze %dma_start3A_25 : memref<1x160x128xi32, #tpu.memory_space<hbm>> -> memref<160x128xi32, #tpu.memory_space<hbm>>
      %dma_start3A_27 = arith.constant 0 : i32
      %dma_start3A_28 = arith.constant 0 : i32
      %dma_start3A_29 = tpu.memref_slice %arg3[%arg1, %dma_start3A_27, %dma_start3A_28] : memref<16x160x128xi32, #tpu.memory_space<hbm>> -> memref<1x160x128xi32, #tpu.memory_space<hbm>>
      %dma_start3A_30 = tpu.memref_squeeze %dma_start3A_29 : memref<1x160x128xi32, #tpu.memory_space<hbm>> -> memref<160x128xi32, #tpu.memory_space<hbm>>
      tpu.enqueue_dma source(%dma_start3A_30 : memref<160x128xi32, #tpu.memory_space<hbm>>) target(%arg7 : memref<160x128xi32, #tpu.memory_space<vmem>>) target_semaphore(%run_scoped3A : memref<!tpu.dma_semaphore, #tpu.memory_space<semaphore_mem>>)
      %dma_wait3A = arith.constant 0 : i32
      %dma_wait3A_31 = arith.constant 0 : i32
      %dma_wait3A_32 = tpu.memref_slice %arg3[%arg1, %dma_wait3A, %dma_wait3A_31] : memref<16x160x128xi32, #tpu.memory_space<hbm>> -> memref<1x160x128xi32, #tpu.memory_space<hbm>>
      %dma_wait3A_33 = tpu.memref_squeeze %dma_wait3A_32 : memref<1x160x128xi32, #tpu.memory_space<hbm>> -> memref<160x128xi32, #tpu.memory_space<hbm>>
      %dma_wait3A_34 = arith.constant 0 : i32
      %dma_wait3A_35 = arith.constant 0 : i32
      %dma_wait3A_36 = tpu.memref_slice %arg3[%arg1, %dma_wait3A_34, %dma_wait3A_35] : memref<16x160x128xi32, #tpu.memory_space<hbm>> -> memref<1x160x128xi32, #tpu.memory_space<hbm>>
      %dma_wait3A_37 = tpu.memref_squeeze %dma_wait3A_36 : memref<1x160x128xi32, #tpu.memory_space<hbm>> -> memref<160x128xi32, #tpu.memory_space<hbm>>
      tpu.wait_dma2 semaphore(%run_scoped3A : memref<!tpu.dma_semaphore, #tpu.memory_space<semaphore_mem>>) src(%dma_wait3A_37 : memref<160x128xi32, #tpu.memory_space<hbm>>) dst(%arg7 : memref<160x128xi32, #tpu.memory_space<vmem>>)
      tpu.yield
    }) : () -> ()
    "tpu.region"() ({
      %run_scoped3A = tpu.sem_alloc : memref<!tpu.dma_semaphore, #tpu.memory_space<semaphore_mem>>
      %dma_start3A_23 = arith.constant 0 : i32
      %dma_start3A_24 = arith.constant 0 : i32
      %dma_start3A_25 = tpu.memref_slice %arg4[%arg0, %arg1, %dma_start3A_23, %dma_start3A_24] : memref<2x16x160x128xi32, #tpu.memory_space<hbm>> -> memref<1x1x160x128xi32, #tpu.memory_space<hbm>>
      %dma_start3A_26 = tpu.memref_squeeze %dma_start3A_25 : memref<1x1x160x128xi32, #tpu.memory_space<hbm>> -> memref<160x128xi32, #tpu.memory_space<hbm>>
      %dma_start3A_27 = arith.constant 0 : i32
      %dma_start3A_28 = arith.constant 0 : i32
      %dma_start3A_29 = tpu.memref_slice %arg4[%arg0, %arg1, %dma_start3A_27, %dma_start3A_28] : memref<2x16x160x128xi32, #tpu.memory_space<hbm>> -> memref<1x1x160x128xi32, #tpu.memory_space<hbm>>
      %dma_start3A_30 = tpu.memref_squeeze %dma_start3A_29 : memref<1x1x160x128xi32, #tpu.memory_space<hbm>> -> memref<160x128xi32, #tpu.memory_space<hbm>>
      tpu.enqueue_dma source(%dma_start3A_30 : memref<160x128xi32, #tpu.memory_space<hbm>>) target(%arg8 : memref<160x128xi32, #tpu.memory_space<vmem>>) target_semaphore(%run_scoped3A : memref<!tpu.dma_semaphore, #tpu.memory_space<semaphore_mem>>)
      %dma_wait3A = arith.constant 0 : i32
      %dma_wait3A_31 = arith.constant 0 : i32
      %dma_wait3A_32 = tpu.memref_slice %arg4[%arg0, %arg1, %dma_wait3A, %dma_wait3A_31] : memref<2x16x160x128xi32, #tpu.memory_space<hbm>> -> memref<1x1x160x128xi32, #tpu.memory_space<hbm>>
      %dma_wait3A_33 = tpu.memref_squeeze %dma_wait3A_32 : memref<1x1x160x128xi32, #tpu.memory_space<hbm>> -> memref<160x128xi32, #tpu.memory_space<hbm>>
      %dma_wait3A_34 = arith.constant 0 : i32
      %dma_wait3A_35 = arith.constant 0 : i32
      %dma_wait3A_36 = tpu.memref_slice %arg4[%arg0, %arg1, %dma_wait3A_34, %dma_wait3A_35] : memref<2x16x160x128xi32, #tpu.memory_space<hbm>> -> memref<1x1x160x128xi32, #tpu.memory_space<hbm>>
      %dma_wait3A_37 = tpu.memref_squeeze %dma_wait3A_36 : memref<1x1x160x128xi32, #tpu.memory_space<hbm>> -> memref<160x128xi32, #tpu.memory_space<hbm>>
      tpu.wait_dma2 semaphore(%run_scoped3A : memref<!tpu.dma_semaphore, #tpu.memory_space<semaphore_mem>>) src(%dma_wait3A_37 : memref<160x128xi32, #tpu.memory_space<hbm>>) dst(%arg8 : memref<160x128xi32, #tpu.memory_space<vmem>>)
      tpu.yield
    }) : () -> ()
    %barrier3A = arith.constant 0 : index
    tpu.barrier barrier_id(%barrier3A)
    %dma_start3A = arith.constant 0 : i32
    %dma_start3A_6 = arith.constant 0 : i32
    %dma_start3A_7 = tpu.memref_slice %arg7[%dma_start3A, %dma_start3A_6] : memref<160x128xi32, #tpu.memory_space<vmem>> -> memref<1x128xi32, #tpu.memory_space<vmem>>
    %dma_start3A_8 = tpu.memref_squeeze %dma_start3A_7 : memref<1x128xi32, #tpu.memory_space<vmem>> -> memref<128xi32, #tpu.memory_space<vmem>>
    %dma_start3A_9 = arith.constant 0 : i32
    %dma_start3A_10 = arith.constant 0 : i32
    %dma_start3A_11 = tpu.memref_slice %arg2[%dma_start3A_9, %dma_start3A_10] : memref<10240x128xf32, #tpu.memory_space<hbm>> -> memref<10240x128xf32, #tpu.memory_space<hbm>>
    tpu.enqueue_indirect_dma source(%dma_start3A_11 : memref<10240x128xf32, #tpu.memory_space<hbm>>) target(%arg9 : memref<128x128xf32, #tpu.memory_space<vmem>>) offsets(%dma_start3A_8 : memref<128xi32, #tpu.memory_space<vmem>>) semaphore(%arg12 : memref<!tpu.dma_semaphore, #tpu.memory_space<semaphore_mem>>)
    %scan3A_12 = arith.constant 0 : i32
    %scan3A_13 = arith.constant 0 : i32
    %scan3A_14 = arith.constant 80 : i32
    %scan3A_15 = arith.addi %scan3A_13, %scan3A_14 : i32
    %scan3A_16 = arith.constant 1 : i32
    %scan3A_17 = scf.for %scan3A_23 = %scan3A_13 to %scan3A_15 step %scan3A_16 iter_args(%scan3A_24 = %scan3A_12) -> (i32)  : i32 {
      %mul3A_25 = arith.constant 2 : i32
      %mul3A_26 = arith.muli %mul3A_25, %scan3A_23 : i32
      %add3A = arith.constant 1 : i32
      %add3A_27 = arith.addi %mul3A_26, %add3A : i32
      %dma_start3A_28 = arith.constant 0 : i32
      %dma_start3A_29 = tpu.memref_slice %arg7[%add3A_27, %dma_start3A_28] : memref<160x128xi32, #tpu.memory_space<vmem>> -> memref<1x128xi32, #tpu.memory_space<vmem>>
      %dma_start3A_30 = tpu.memref_squeeze %dma_start3A_29 : memref<1x128xi32, #tpu.memory_space<vmem>> -> memref<128xi32, #tpu.memory_space<vmem>>
      %dma_start3A_31 = arith.constant 0 : i32
      %dma_start3A_32 = arith.constant 0 : i32
      %dma_start3A_33 = tpu.memref_slice %arg2[%dma_start3A_31, %dma_start3A_32] : memref<10240x128xf32, #tpu.memory_space<hbm>> -> memref<10240x128xf32, #tpu.memory_space<hbm>>
      tpu.enqueue_indirect_dma source(%dma_start3A_33 : memref<10240x128xf32, #tpu.memory_space<hbm>>) target(%arg10 : memref<128x128xf32, #tpu.memory_space<vmem>>) offsets(%dma_start3A_30 : memref<128xi32, #tpu.memory_space<vmem>>) semaphore(%arg13 : memref<!tpu.dma_semaphore, #tpu.memory_space<semaphore_mem>>)
      %mul3A_34 = arith.constant 2 : i32
      %mul3A_35 = arith.muli %mul3A_34, %scan3A_23 : i32
      %dma_wait3A = arith.constant 0 : i32
      %dma_wait3A_36 = tpu.memref_slice %arg7[%mul3A_35, %dma_wait3A] : memref<160x128xi32, #tpu.memory_space<vmem>> -> memref<1x128xi32, #tpu.memory_space<vmem>>
      %dma_wait3A_37 = tpu.memref_squeeze %dma_wait3A_36 : memref<1x128xi32, #tpu.memory_space<vmem>> -> memref<128xi32, #tpu.memory_space<vmem>>
      %dma_wait3A_38 = arith.constant 0 : i32
      %dma_wait3A_39 = arith.constant 0 : i32
      %dma_wait3A_40 = tpu.memref_slice %arg2[%dma_wait3A_38, %dma_wait3A_39] : memref<10240x128xf32, #tpu.memory_space<hbm>> -> memref<10240x128xf32, #tpu.memory_space<hbm>>
      tpu.wait_indirect_dma semaphore(%arg12 : memref<!tpu.dma_semaphore, #tpu.memory_space<semaphore_mem>>) src(%dma_wait3A_40 : memref<10240x128xf32, #tpu.memory_space<hbm>>) dst(%arg9 : memref<128x128xf32, #tpu.memory_space<vmem>>)
      %mul3A_41 = arith.constant 2 : i32
      %mul3A_42 = arith.muli %mul3A_41, %scan3A_23 : i32
      "tpu.region"() ({
        %run_scoped3A = tpu.sem_alloc : memref<!tpu.dma_semaphore, #tpu.memory_space<semaphore_mem>>
        %dma_start3A_60 = arith.constant 0 : i32
        %dma_start3A_61 = tpu.memref_slice %arg8[%mul3A_42, %dma_start3A_60] : memref<160x128xi32, #tpu.memory_space<vmem>> -> memref<1x128xi32, #tpu.memory_space<vmem>>
        %dma_start3A_62 = tpu.memref_squeeze %dma_start3A_61 : memref<1x128xi32, #tpu.memory_space<vmem>> -> memref<128xi32, #tpu.memory_space<vmem>>
        %dma_start3A_63 = arith.constant 0 : i32
        %dma_start3A_64 = arith.constant 0 : i32
        %dma_start3A_65 = tpu.memref_slice %arg11[%dma_start3A_63, %dma_start3A_64] : memref<5248x128xf32, #tpu.memory_space<vmem_shared>> -> memref<5248x128xf32, #tpu.memory_space<vmem_shared>>
        tpu.enqueue_indirect_dma source(%arg9 : memref<128x128xf32, #tpu.memory_space<vmem>>) target(%dma_start3A_65 : memref<5248x128xf32, #tpu.memory_space<vmem_shared>>) offsets(%dma_start3A_62 : memref<128xi32, #tpu.memory_space<vmem>>) semaphore(%run_scoped3A : memref<!tpu.dma_semaphore, #tpu.memory_space<semaphore_mem>>) {add = true}
        %dma_wait3A_66 = arith.constant 0 : i32
        %dma_wait3A_67 = tpu.memref_slice %arg8[%mul3A_42, %dma_wait3A_66] : memref<160x128xi32, #tpu.memory_space<vmem>> -> memref<1x128xi32, #tpu.memory_space<vmem>>
        %dma_wait3A_68 = tpu.memref_squeeze %dma_wait3A_67 : memref<1x128xi32, #tpu.memory_space<vmem>> -> memref<128xi32, #tpu.memory_space<vmem>>
        %dma_wait3A_69 = arith.constant 0 : i32
        %dma_wait3A_70 = arith.constant 0 : i32
        %dma_wait3A_71 = tpu.memref_slice %arg11[%dma_wait3A_69, %dma_wait3A_70] : memref<5248x128xf32, #tpu.memory_space<vmem_shared>> -> memref<5248x128xf32, #tpu.memory_space<vmem_shared>>
        tpu.wait_indirect_dma semaphore(%run_scoped3A : memref<!tpu.dma_semaphore, #tpu.memory_space<semaphore_mem>>) src(%arg9 : memref<128x128xf32, #tpu.memory_space<vmem>>) dst(%dma_wait3A_71 : memref<5248x128xf32, #tpu.memory_space<vmem_shared>>)
        tpu.yield
      }) : () -> ()
      %lt3A = arith.constant 79 : i32
      %lt3A_43 = arith.cmpi slt, %scan3A_23, %lt3A : i32
      %convert_element_type3A = arith.extui %lt3A_43 : i1 to i32
      %cond3A = arith.constant 0 : i32
      %cond3A_44 = arith.cmpi ne, %convert_element_type3A, %cond3A : i32
      scf.if %cond3A_44 {
        %mul3A_60 = arith.constant 2 : i32
        %mul3A_61 = arith.muli %mul3A_60, %scan3A_23 : i32
        %add3A_62 = arith.constant 2 : i32
        %add3A_63 = arith.addi %mul3A_61, %add3A_62 : i32
        %dma_start3A_64 = arith.constant 0 : i32
        %dma_start3A_65 = tpu.memref_slice %arg7[%add3A_63, %dma_start3A_64] : memref<160x128xi32, #tpu.memory_space<vmem>> -> memref<1x128xi32, #tpu.memory_space<vmem>>
        %dma_start3A_66 = tpu.memref_squeeze %dma_start3A_65 : memref<1x128xi32, #tpu.memory_space<vmem>> -> memref<128xi32, #tpu.memory_space<vmem>>
        %dma_start3A_67 = arith.constant 0 : i32
        %dma_start3A_68 = arith.constant 0 : i32
        %dma_start3A_69 = tpu.memref_slice %arg2[%dma_start3A_67, %dma_start3A_68] : memref<10240x128xf32, #tpu.memory_space<hbm>> -> memref<10240x128xf32, #tpu.memory_space<hbm>>
        tpu.enqueue_indirect_dma source(%dma_start3A_69 : memref<10240x128xf32, #tpu.memory_space<hbm>>) target(%arg9 : memref<128x128xf32, #tpu.memory_space<vmem>>) offsets(%dma_start3A_66 : memref<128xi32, #tpu.memory_space<vmem>>) semaphore(%arg12 : memref<!tpu.dma_semaphore, #tpu.memory_space<semaphore_mem>>)
      } else {
      }
      %mul3A_45 = arith.constant 2 : i32
      %mul3A_46 = arith.muli %mul3A_45, %scan3A_23 : i32
      %add3A_47 = arith.constant 1 : i32
      %add3A_48 = arith.addi %mul3A_46, %add3A_47 : i32
      %dma_wait3A_49 = arith.constant 0 : i32
      %dma_wait3A_50 = tpu.memref_slice %arg7[%add3A_48, %dma_wait3A_49] : memref<160x128xi32, #tpu.memory_space<vmem>> -> memref<1x128xi32, #tpu.memory_space<vmem>>
      %dma_wait3A_51 = tpu.memref_squeeze %dma_wait3A_50 : memref<1x128xi32, #tpu.memory_space<vmem>> -> memref<128xi32, #tpu.memory_space<vmem>>
      %dma_wait3A_52 = arith.constant 0 : i32
      %dma_wait3A_53 = arith.constant 0 : i32
      %dma_wait3A_54 = tpu.memref_slice %arg2[%dma_wait3A_52, %dma_wait3A_53] : memref<10240x128xf32, #tpu.memory_space<hbm>> -> memref<10240x128xf32, #tpu.memory_space<hbm>>
      tpu.wait_indirect_dma semaphore(%arg13 : memref<!tpu.dma_semaphore, #tpu.memory_space<semaphore_mem>>) src(%dma_wait3A_54 : memref<10240x128xf32, #tpu.memory_space<hbm>>) dst(%arg10 : memref<128x128xf32, #tpu.memory_space<vmem>>)
      %mul3A_55 = arith.constant 2 : i32
      %mul3A_56 = arith.muli %mul3A_55, %scan3A_23 : i32
      %add3A_57 = arith.constant 1 : i32
      %add3A_58 = arith.addi %mul3A_56, %add3A_57 : i32
      "tpu.region"() ({
        %run_scoped3A = tpu.sem_alloc : memref<!tpu.dma_semaphore, #tpu.memory_space<semaphore_mem>>
        %dma_start3A_60 = arith.constant 0 : i32
        %dma_start3A_61 = tpu.memref_slice %arg8[%add3A_58, %dma_start3A_60] : memref<160x128xi32, #tpu.memory_space<vmem>> -> memref<1x128xi32, #tpu.memory_space<vmem>>
        %dma_start3A_62 = tpu.memref_squeeze %dma_start3A_61 : memref<1x128xi32, #tpu.memory_space<vmem>> -> memref<128xi32, #tpu.memory_space<vmem>>
        %dma_start3A_63 = arith.constant 0 : i32
        %dma_start3A_64 = arith.constant 0 : i32
        %dma_start3A_65 = tpu.memref_slice %arg11[%dma_start3A_63, %dma_start3A_64] : memref<5248x128xf32, #tpu.memory_space<vmem_shared>> -> memref<5248x128xf32, #tpu.memory_space<vmem_shared>>
        tpu.enqueue_indirect_dma source(%arg10 : memref<128x128xf32, #tpu.memory_space<vmem>>) target(%dma_start3A_65 : memref<5248x128xf32, #tpu.memory_space<vmem_shared>>) offsets(%dma_start3A_62 : memref<128xi32, #tpu.memory_space<vmem>>) semaphore(%run_scoped3A : memref<!tpu.dma_semaphore, #tpu.memory_space<semaphore_mem>>) {add = true}
        %dma_wait3A_66 = arith.constant 0 : i32
        %dma_wait3A_67 = tpu.memref_slice %arg8[%add3A_58, %dma_wait3A_66] : memref<160x128xi32, #tpu.memory_space<vmem>> -> memref<1x128xi32, #tpu.memory_space<vmem>>
        %dma_wait3A_68 = tpu.memref_squeeze %dma_wait3A_67 : memref<1x128xi32, #tpu.memory_space<vmem>> -> memref<128xi32, #tpu.memory_space<vmem>>
        %dma_wait3A_69 = arith.constant 0 : i32
        %dma_wait3A_70 = arith.constant 0 : i32
        %dma_wait3A_71 = tpu.memref_slice %arg11[%dma_wait3A_69, %dma_wait3A_70] : memref<5248x128xf32, #tpu.memory_space<vmem_shared>> -> memref<5248x128xf32, #tpu.memory_space<vmem_shared>>
        tpu.wait_indirect_dma semaphore(%run_scoped3A : memref<!tpu.dma_semaphore, #tpu.memory_space<semaphore_mem>>) src(%arg10 : memref<128x128xf32, #tpu.memory_space<vmem>>) dst(%dma_wait3A_71 : memref<5248x128xf32, #tpu.memory_space<vmem_shared>>)
        tpu.yield
      }) : () -> ()
      %scan3A_59 = arith.constant 0 : i32
      scf.yield %scan3A_59 : i32
    }
    %scan3A_18 = arith.constant 80 : i32
    %barrier3A_19 = arith.constant 0 : index
    tpu.barrier barrier_id(%barrier3A_19)
    %mul3A = arith.constant 320 : i32
    %mul3A_20 = arith.muli %arg1, %mul3A : i32
    %mul3A_21 = arith.constant 320 : i32
    %mul3A_22 = arith.muli %arg1, %mul3A_21 : i32
    "tpu.region"() ({
      %run_scoped3A = tpu.sem_alloc : memref<!tpu.dma_semaphore, #tpu.memory_space<semaphore_mem>>
      %dma_start3A_23 = arith.constant 0 : i32
      %dma_start3A_24 = tpu.memref_slice %arg6[%arg0, %mul3A_22, %dma_start3A_23] : memref<2x5120x128xf32, #tpu.memory_space<hbm>> -> memref<1x320x128xf32, #tpu.memory_space<hbm>>
      %dma_start3A_25 = tpu.memref_squeeze %dma_start3A_24 : memref<1x320x128xf32, #tpu.memory_space<hbm>> -> memref<320x128xf32, #tpu.memory_space<hbm>>
      %dma_start3A_26 = arith.constant 0 : i32
      %dma_start3A_27 = tpu.memref_slice %arg11[%mul3A_20, %dma_start3A_26] : memref<5248x128xf32, #tpu.memory_space<vmem_shared>> -> memref<320x128xf32, #tpu.memory_space<vmem_shared>>
      tpu.enqueue_dma source(%dma_start3A_27 : memref<320x128xf32, #tpu.memory_space<vmem_shared>>) target(%dma_start3A_25 : memref<320x128xf32, #tpu.memory_space<hbm>>) target_semaphore(%run_scoped3A : memref<!tpu.dma_semaphore, #tpu.memory_space<semaphore_mem>>)
      %dma_wait3A = arith.constant 0 : i32
      %dma_wait3A_28 = tpu.memref_slice %arg6[%arg0, %mul3A_22, %dma_wait3A] : memref<2x5120x128xf32, #tpu.memory_space<hbm>> -> memref<1x320x128xf32, #tpu.memory_space<hbm>>
      %dma_wait3A_29 = tpu.memref_squeeze %dma_wait3A_28 : memref<1x320x128xf32, #tpu.memory_space<hbm>> -> memref<320x128xf32, #tpu.memory_space<hbm>>
      %dma_wait3A_30 = arith.constant 0 : i32
      %dma_wait3A_31 = tpu.memref_slice %arg11[%mul3A_20, %dma_wait3A_30] : memref<5248x128xf32, #tpu.memory_space<vmem_shared>> -> memref<320x128xf32, #tpu.memory_space<vmem_shared>>
      tpu.wait_dma2 semaphore(%run_scoped3A : memref<!tpu.dma_semaphore, #tpu.memory_space<semaphore_mem>>) src(%dma_wait3A_31 : memref<320x128xf32, #tpu.memory_space<vmem_shared>>) dst(%dma_wait3A_29 : memref<320x128xf32, #tpu.memory_space<hbm>>)
      tpu.yield
    }) : () -> ()
    return
  }
}

module attributes {stable_mosaic.version = 14 : i64} {
  func.func @_tc_remap_body(%arg0: i32, %arg1: memref<256x128xi32, #tpu.memory_space<vmem>>, %arg2: memref<2x256x128xi32, #tpu.memory_space<vmem>>) attributes {dimension_semantics = [#tpu.dimension_semantics<arbitrary>], iteration_bounds = array<i64: 10>, scalar_prefetch = 0 : i64, scratch_operands = 0 : i64, tpu.core_type = #tpu.core_type<tc>, window_params = [{transform_indices = @transform_0, window_bounds = array<i64: 256, 128>}, {transform_indices = @transform_1, window_bounds = array<i64: 2, 256, 128>}]} {
    %get3A = arith.constant 0 : index
    %get3A_0 = arith.constant 0 : index
    %get3A_1 = vector.load %arg1[%get3A, %get3A_0] : memref<256x128xi32, #tpu.memory_space<vmem>>, vector<256x128xi32>
    %ge3A = arith.constant 0 : i32
    %ge3A_2 = vector.broadcast %ge3A : i32 to vector<256x128xi32>
    %ge3A_3 = arith.cmpi sge, %get3A_1, %ge3A_2 : vector<256x128xi32>
    %lt3A = arith.constant 5120 : i32
    %lt3A_4 = vector.broadcast %lt3A : i32 to vector<256x128xi32>
    %lt3A_5 = arith.cmpi slt, %get3A_1, %lt3A_4 : vector<256x128xi32>
    %and3A = arith.andi %ge3A_3, %lt3A_5 : vector<256x128xi1>
    %sub3A = arith.constant 0 : i32
    %sub3A_6 = vector.broadcast %sub3A : i32 to vector<256x128xi32>
    %sub3A_7 = arith.subi %get3A_1, %sub3A_6 : vector<256x128xi32>
    %and3A_8 = arith.constant 127 : i32
    %and3A_9 = vector.broadcast %and3A_8 : i32 to vector<256x128xi32>
    %and3A_10 = arith.andi %get3A_1, %and3A_9 : vector<256x128xi32>
    %add3A = arith.constant 5120 : i32
    %add3A_11 = vector.broadcast %add3A : i32 to vector<256x128xi32>
    %add3A_12 = arith.addi %add3A_11, %and3A_10 : vector<256x128xi32>
    %select_n3A = arith.select %and3A, %sub3A_7, %add3A_12 : vector<256x128xi1>, vector<256x128xi32>
    %swap3A = arith.constant 0 : index
    %swap3A_13 = arith.constant 0 : index
    %swap3A_14 = arith.constant 0 : index
    %swap3A_15 = vector.load %arg2[%swap3A, %swap3A_13, %swap3A_14] : memref<2x256x128xi32, #tpu.memory_space<vmem>>, vector<1x256x128xi32>
    %swap3A_16 = vector.shape_cast %swap3A_15 : vector<1x256x128xi32> to vector<256x128xi32>
    %swap3A_17 = vector.shape_cast %select_n3A : vector<256x128xi32> to vector<1x256x128xi32>
    tpu.vector_store %arg2[%swap3A, %swap3A_13, %swap3A_14], %swap3A_17 {strides = array<i32>} : memref<2x256x128xi32, #tpu.memory_space<vmem>>, vector<1x256x128xi32>,
    %ge3A_18 = arith.constant 5120 : i32
    %ge3A_19 = vector.broadcast %ge3A_18 : i32 to vector<256x128xi32>
    %ge3A_20 = arith.cmpi sge, %get3A_1, %ge3A_19 : vector<256x128xi32>
    %lt3A_21 = arith.constant 10240 : i32
    %lt3A_22 = vector.broadcast %lt3A_21 : i32 to vector<256x128xi32>
    %lt3A_23 = arith.cmpi slt, %get3A_1, %lt3A_22 : vector<256x128xi32>
    %and3A_24 = arith.andi %ge3A_20, %lt3A_23 : vector<256x128xi1>
    %sub3A_25 = arith.constant 5120 : i32
    %sub3A_26 = vector.broadcast %sub3A_25 : i32 to vector<256x128xi32>
    %sub3A_27 = arith.subi %get3A_1, %sub3A_26 : vector<256x128xi32>
    %and3A_28 = arith.constant 127 : i32
    %and3A_29 = vector.broadcast %and3A_28 : i32 to vector<256x128xi32>
    %and3A_30 = arith.andi %get3A_1, %and3A_29 : vector<256x128xi32>
    %add3A_31 = arith.constant 5120 : i32
    %add3A_32 = vector.broadcast %add3A_31 : i32 to vector<256x128xi32>
    %add3A_33 = arith.addi %add3A_32, %and3A_30 : vector<256x128xi32>
    %select_n3A_34 = arith.select %and3A_24, %sub3A_27, %add3A_33 : vector<256x128xi1>, vector<256x128xi32>
    %swap3A_35 = arith.constant 1 : index
    %swap3A_36 = arith.constant 0 : index
    %swap3A_37 = arith.constant 0 : index
    %swap3A_38 = vector.load %arg2[%swap3A_35, %swap3A_36, %swap3A_37] : memref<2x256x128xi32, #tpu.memory_space<vmem>>, vector<1x256x128xi32>
    %swap3A_39 = vector.shape_cast %swap3A_38 : vector<1x256x128xi32> to vector<256x128xi32>
    %swap3A_40 = vector.shape_cast %select_n3A_34 : vector<256x128xi32> to vector<1x256x128xi32>
    tpu.vector_store %arg2[%swap3A_35, %swap3A_36, %swap3A_37], %swap3A_40 {strides = array<i32>} : memref<2x256x128xi32, #tpu.memory_space<vmem>>, vector<1x256x128xi32>,
    return
  }
  func.func @transform_0(%arg0: i32) -> (i32, i32) {
    %c0_i32 = arith.constant 0 : i32
    %c0_i32_0 = arith.constant 0 : i32
    return %arg0, %c0_i32 : i32, i32
  }
  func.func @transform_1(%arg0: i32) -> (i32, i32, i32) {
    %c0_i32 = arith.constant 0 : i32
    %c0_i32_0 = arith.constant 0 : i32
    %c0_i32_1 = arith.constant 0 : i32
    return %c0_i32, %arg0, %c0_i32_0 : i32, i32, i32
  }
}

module attributes {stable_mosaic.version = 14 : i64} {
  func.func @_tc_final_body(%arg0: i32, %arg1: memref<512x128xf32, #tpu.memory_space<vmem>>, %arg2: memref<128x16xf32, #tpu.memory_space<vmem>>, %arg3: memref<1x16xf32, #tpu.memory_space<vmem>>, %arg4: memref<512x16xf32, #tpu.memory_space<vmem>>) attributes {dimension_semantics = [#tpu.dimension_semantics<arbitrary>], iteration_bounds = array<i64: 20>, scalar_prefetch = 0 : i64, scratch_operands = 0 : i64, tpu.core_type = #tpu.core_type<tc>, window_params = [{transform_indices = @transform_0, window_bounds = array<i64: 512, 128>}, {pipeline_mode = #tpu.pipeline_mode<synchronous>, transform_indices = @transform_1, window_bounds = array<i64: 128, 16>}, {pipeline_mode = #tpu.pipeline_mode<synchronous>, transform_indices = @transform_2, window_bounds = array<i64: 1, 16>}, {transform_indices = @transform_3, window_bounds = array<i64: 512, 16>}]} {
    %get3A = arith.constant 0 : index
    %get3A_0 = arith.constant 0 : index
    %get3A_1 = vector.load %arg1[%get3A, %get3A_0] : memref<512x128xf32, #tpu.memory_space<vmem>>, vector<512x128xf32>
    %get3A_2 = arith.constant 0 : index
    %get3A_3 = arith.constant 0 : index
    %get3A_4 = vector.load %arg2[%get3A_2, %get3A_3] : memref<128x16xf32, #tpu.memory_space<vmem>>, vector<128x16xf32>
    %dot_general3A = arith.constant dense<0.000000e+00> : vector<512x16xf32>
    %dot_general3A_5 = tpu.matmul %get3A_1, %get3A_4, %dot_general3A {dimension_numbers = #tpu.dot_dimension_numbers<[1], [0], [0], [1], [0, 0, 1, 1], [], []>, transpose_lhs_hint = false} : vector<512x128xf32>, vector<128x16xf32>, vector<512x16xf32> -> vector<512x16xf32>
    %get3A_6 = arith.constant 0 : index
    %get3A_7 = arith.constant 0 : index
    %get3A_8 = vector.load %arg3[%get3A_6, %get3A_7] : memref<1x16xf32, #tpu.memory_space<vmem>>, vector<1x16xf32>
    %add3A = vector.broadcast %get3A_8 : vector<1x16xf32> to vector<512x16xf32>
    %add3A_9 = arith.addf %dot_general3A_5, %add3A : vector<512x16xf32>
    %reduce_max3A = arith.constant dense<0xFF800000> : vector<512xf32>
    %reduce_max3A_10 = vector.multi_reduction <maximumf>, %add3A_9, %reduce_max3A [1] : vector<512x16xf32> to vector<512xf32>
    %broadcast_in_dim3A = vector.shape_cast %reduce_max3A_10 : vector<512xf32> to vector<512x1xf32>
    %sub3A = vector.broadcast %broadcast_in_dim3A : vector<512x1xf32> to vector<512x16xf32>
    %sub3A_11 = arith.subf %add3A_9, %sub3A : vector<512x16xf32>
    %exp3A = math.exp %sub3A_11 : vector<512x16xf32>
    %reduce_sum3A = arith.constant dense<0.000000e+00> : vector<512xf32>
    %reduce_sum3A_12 = vector.multi_reduction <add>, %exp3A, %reduce_sum3A [1] : vector<512x16xf32> to vector<512xf32>
    %broadcast_in_dim3A_13 = vector.shape_cast %reduce_sum3A_12 : vector<512xf32> to vector<512x1xf32>
    %log3A = math.log %broadcast_in_dim3A_13 : vector<512x1xf32>
    %add3A_14 = arith.addf %log3A, %broadcast_in_dim3A : vector<512x1xf32>
    %sub3A_15 = vector.broadcast %add3A_14 : vector<512x1xf32> to vector<512x16xf32>
    %sub3A_16 = arith.subf %add3A_9, %sub3A_15 : vector<512x16xf32>
    %swap3A = arith.constant 0 : index
    %swap3A_17 = arith.constant 0 : index
    %swap3A_18 = vector.load %arg4[%swap3A, %swap3A_17] : memref<512x16xf32, #tpu.memory_space<vmem>>, vector<512x16xf32>
    tpu.vector_store %arg4[%swap3A, %swap3A_17], %sub3A_16 {strides = array<i32>} : memref<512x16xf32, #tpu.memory_space<vmem>>, vector<512x16xf32>,
    return
  }
  func.func @transform_0(%arg0: i32) -> (i32, i32) {
    %c0_i32 = arith.constant 0 : i32
    %c0_i32_0 = arith.constant 0 : i32
    return %arg0, %c0_i32 : i32, i32
  }
  func.func @transform_1(%arg0: i32) -> (i32, i32) {
    %c0_i32 = arith.constant 0 : i32
    %c0_i32_0 = arith.constant 0 : i32
    %c0_i32_1 = arith.constant 0 : i32
    return %c0_i32, %c0_i32_0 : i32, i32
  }
  func.func @transform_2(%arg0: i32) -> (i32, i32) {
    %c0_i32 = arith.constant 0 : i32
    %c0_i32_0 = arith.constant 0 : i32
    %c0_i32_1 = arith.constant 0 : i32
    return %c0_i32, %c0_i32_0 : i32, i32
  }
  func.func @transform_3(%arg0: i32) -> (i32, i32) {
    %c0_i32 = arith.constant 0 : i32
    %c0_i32_0 = arith.constant 0 : i32
    return %arg0, %c0_i32 : i32, i32
  }
}

module attributes {stable_mosaic.version = 14 : i64} {
  func.func @_tc_pre_body(%arg0: i32, %arg1: memref<512x16xf32, #tpu.memory_space<vmem>>, %arg2: memref<512x128xf32, #tpu.memory_space<vmem>>, %arg3: memref<128x128xf32, #tpu.memory_space<vmem>>, %arg4: memref<512x128xf32, #tpu.memory_space<vmem>>) attributes {dimension_semantics = [#tpu.dimension_semantics<arbitrary>], iteration_bounds = array<i64: 20>, scalar_prefetch = 0 : i64, scratch_operands = 0 : i64, tpu.core_type = #tpu.core_type<tc>, window_params = [{transform_indices = @transform_0, window_bounds = array<i64: 512, 16>}, {transform_indices = @transform_1, window_bounds = array<i64: 512, 128>}, {pipeline_mode = #tpu.pipeline_mode<synchronous>, transform_indices = @transform_2, window_bounds = array<i64: 128, 128>}, {transform_indices = @transform_3, window_bounds = array<i64: 512, 128>}]} {
    %get3A = arith.constant 0 : index
    %get3A_0 = arith.constant 0 : index
    %get3A_1 = vector.load %arg1[%get3A, %get3A_0] : memref<512x16xf32, #tpu.memory_space<vmem>>, vector<512x1xf32>
    %add3A = arith.constant 1.000000e+00 : f32
    %add3A_2 = vector.broadcast %add3A : f32 to vector<512x1xf32>
    %add3A_3 = arith.addf %get3A_1, %add3A_2 : vector<512x1xf32>
    %rsqrt3A = math.rsqrt %add3A_3 : vector<512x1xf32>
    %iota3A = tpu.iota {dimensions = array<i32: 0>} : vector<512x1xi32>
    %mul3A = arith.constant 512 : i32
    %mul3A_4 = arith.muli %arg0, %mul3A : i32
    %add3A_5 = vector.broadcast %mul3A_4 : i32 to vector<512x1xi32>
    %add3A_6 = arith.addi %iota3A, %add3A_5 : vector<512x1xi32>
    %lt3A = arith.constant 10000 : i32
    %lt3A_7 = vector.broadcast %lt3A : i32 to vector<512x1xi32>
    %lt3A_8 = arith.cmpi slt, %add3A_6, %lt3A_7 : vector<512x1xi32>
    %jit3A = arith.constant 0.000000e+00 : f32
    %broadcast_in_dim3A = vector.broadcast %jit3A : f32 to vector<512x1xf32>
    %select_n3A = arith.select %lt3A_8, %rsqrt3A, %broadcast_in_dim3A : vector<512x1xi1>, vector<512x1xf32>
    %get3A_9 = arith.constant 0 : index
    %get3A_10 = arith.constant 0 : index
    %get3A_11 = vector.load %arg2[%get3A_9, %get3A_10] : memref<512x128xf32, #tpu.memory_space<vmem>>, vector<512x128xf32>
    %get3A_12 = arith.constant 0 : index
    %get3A_13 = arith.constant 0 : index
    %get3A_14 = vector.load %arg3[%get3A_12, %get3A_13] : memref<128x128xf32, #tpu.memory_space<vmem>>, vector<128x128xf32>
    %dot_general3A = arith.constant dense<0.000000e+00> : vector<512x128xf32>
    %dot_general3A_15 = tpu.matmul %get3A_11, %get3A_14, %dot_general3A {dimension_numbers = #tpu.dot_dimension_numbers<[1], [0], [0], [1], [0, 0, 1, 1], [], []>, transpose_lhs_hint = false} : vector<512x128xf32>, vector<128x128xf32>, vector<512x128xf32> -> vector<512x128xf32>
    %mul3A_16 = vector.broadcast %select_n3A : vector<512x1xf32> to vector<512x128xf32>
    %mul3A_17 = arith.mulf %dot_general3A_15, %mul3A_16 : vector<512x128xf32>
    %swap3A = arith.constant 0 : index
    %swap3A_18 = arith.constant 0 : index
    %swap3A_19 = vector.load %arg4[%swap3A, %swap3A_18] : memref<512x128xf32, #tpu.memory_space<vmem>>, vector<512x128xf32>
    tpu.vector_store %arg4[%swap3A, %swap3A_18], %mul3A_17 {strides = array<i32>} : memref<512x128xf32, #tpu.memory_space<vmem>>, vector<512x128xf32>,
    return
  }
  func.func @transform_0(%arg0: i32) -> (i32, i32) {
    %c0_i32 = arith.constant 0 : i32
    %c0_i32_0 = arith.constant 0 : i32
    return %arg0, %c0_i32 : i32, i32
  }
  func.func @transform_1(%arg0: i32) -> (i32, i32) {
    %c0_i32 = arith.constant 0 : i32
    %c0_i32_0 = arith.constant 0 : i32
    return %arg0, %c0_i32 : i32, i32
  }
  func.func @transform_2(%arg0: i32) -> (i32, i32) {
    %c0_i32 = arith.constant 0 : i32
    %c0_i32_0 = arith.constant 0 : i32
    %c0_i32_1 = arith.constant 0 : i32
    return %c0_i32, %c0_i32_0 : i32, i32
  }
  func.func @transform_3(%arg0: i32) -> (i32, i32) {
    %c0_i32 = arith.constant 0 : i32
    %c0_i32_0 = arith.constant 0 : i32
    return %arg0, %c0_i32 : i32, i32
  }
}

module attributes {stable_mosaic.version = 14 : i64} {
  func.func @_tc_mid_body(%arg0: i32, %arg1: memref<512x16xf32, #tpu.memory_space<vmem>>, %arg2: memref<512x128xf32, #tpu.memory_space<vmem>>, %arg3: memref<512x128xf32, #tpu.memory_space<vmem>>, %arg4: memref<1x128xf32, #tpu.memory_space<vmem>>, %arg5: memref<128x128xf32, #tpu.memory_space<vmem>>, %arg6: memref<512x128xf32, #tpu.memory_space<vmem>>, %arg7: memref<512x128xf32, #tpu.memory_space<vmem>>) attributes {dimension_semantics = [#tpu.dimension_semantics<arbitrary>], iteration_bounds = array<i64: 20>, scalar_prefetch = 0 : i64, scratch_operands = 0 : i64, tpu.core_type = #tpu.core_type<tc>, window_params = [{transform_indices = @transform_0, window_bounds = array<i64: 512, 16>}, {transform_indices = @transform_1, window_bounds = array<i64: 512, 128>}, {transform_indices = @transform_2, window_bounds = array<i64: 512, 128>}, {pipeline_mode = #tpu.pipeline_mode<synchronous>, transform_indices = @transform_3, window_bounds = array<i64: 1, 128>}, {pipeline_mode = #tpu.pipeline_mode<synchronous>, transform_indices = @transform_4, window_bounds = array<i64: 128, 128>}, {transform_indices = @transform_5, window_bounds = array<i64: 512, 128>}, {transform_indices = @transform_6, window_bounds = array<i64: 512, 128>}]} {
    %get3A = arith.constant 0 : index
    %get3A_0 = arith.constant 0 : index
    %get3A_1 = vector.load %arg1[%get3A, %get3A_0] : memref<512x16xf32, #tpu.memory_space<vmem>>, vector<512x1xf32>
    %add3A = arith.constant 1.000000e+00 : f32
    %add3A_2 = vector.broadcast %add3A : f32 to vector<512x1xf32>
    %add3A_3 = arith.addf %get3A_1, %add3A_2 : vector<512x1xf32>
    %rsqrt3A = math.rsqrt %add3A_3 : vector<512x1xf32>
    %iota3A = tpu.iota {dimensions = array<i32: 0>} : vector<512x1xi32>
    %mul3A = arith.constant 512 : i32
    %mul3A_4 = arith.muli %arg0, %mul3A : i32
    %add3A_5 = vector.broadcast %mul3A_4 : i32 to vector<512x1xi32>
    %add3A_6 = arith.addi %iota3A, %add3A_5 : vector<512x1xi32>
    %lt3A = arith.constant 10000 : i32
    %lt3A_7 = vector.broadcast %lt3A : i32 to vector<512x1xi32>
    %lt3A_8 = arith.cmpi slt, %add3A_6, %lt3A_7 : vector<512x1xi32>
    %jit3A = arith.constant 0.000000e+00 : f32
    %broadcast_in_dim3A = vector.broadcast %jit3A : f32 to vector<512x1xf32>
    %select_n3A = arith.select %lt3A_8, %rsqrt3A, %broadcast_in_dim3A : vector<512x1xi1>, vector<512x1xf32>
    %get3A_9 = arith.constant 0 : index
    %get3A_10 = arith.constant 0 : index
    %get3A_11 = vector.load %arg2[%get3A_9, %get3A_10] : memref<512x128xf32, #tpu.memory_space<vmem>>, vector<512x128xf32>
    %get3A_12 = arith.constant 0 : index
    %get3A_13 = arith.constant 0 : index
    %get3A_14 = vector.load %arg3[%get3A_12, %get3A_13] : memref<512x128xf32, #tpu.memory_space<vmem>>, vector<512x128xf32>
    %add3A_15 = arith.addf %get3A_11, %get3A_14 : vector<512x128xf32>
    %mul3A_16 = vector.broadcast %select_n3A : vector<512x1xf32> to vector<512x128xf32>
    %mul3A_17 = arith.mulf %add3A_15, %mul3A_16 : vector<512x128xf32>
    %get3A_18 = arith.constant 0 : index
    %get3A_19 = arith.constant 0 : index
    %get3A_20 = vector.load %arg4[%get3A_18, %get3A_19] : memref<1x128xf32, #tpu.memory_space<vmem>>, vector<1x128xf32>
    %add3A_21 = vector.broadcast %get3A_20 : vector<1x128xf32> to vector<512x128xf32>
    %add3A_22 = arith.addf %mul3A_17, %add3A_21 : vector<512x128xf32>
    %max3A = arith.constant 0.000000e+00 : f32
    %max3A_23 = vector.broadcast %max3A : f32 to vector<512x128xf32>
    %max3A_24 = arith.maximumf %add3A_22, %max3A_23 : vector<512x128xf32>
    %swap3A = arith.constant 0 : index
    %swap3A_25 = arith.constant 0 : index
    %swap3A_26 = vector.load %arg6[%swap3A, %swap3A_25] : memref<512x128xf32, #tpu.memory_space<vmem>>, vector<512x128xf32>
    tpu.vector_store %arg6[%swap3A, %swap3A_25], %max3A_24 {strides = array<i32>} : memref<512x128xf32, #tpu.memory_space<vmem>>, vector<512x128xf32>,
    %get3A_27 = arith.constant 0 : index
    %get3A_28 = arith.constant 0 : index
    %get3A_29 = vector.load %arg5[%get3A_27, %get3A_28] : memref<128x128xf32, #tpu.memory_space<vmem>>, vector<128x128xf32>
    %dot_general3A = arith.constant dense<0.000000e+00> : vector<512x128xf32>
    %dot_general3A_30 = tpu.matmul %max3A_24, %get3A_29, %dot_general3A {dimension_numbers = #tpu.dot_dimension_numbers<[1], [0], [0], [1], [0, 0, 1, 1], [], []>, transpose_lhs_hint = false} : vector<512x128xf32>, vector<128x128xf32>, vector<512x128xf32> -> vector<512x128xf32>
    %mul3A_31 = vector.broadcast %select_n3A : vector<512x1xf32> to vector<512x128xf32>
    %mul3A_32 = arith.mulf %dot_general3A_30, %mul3A_31 : vector<512x128xf32>
    %swap3A_33 = arith.constant 0 : index
    %swap3A_34 = arith.constant 0 : index
    %swap3A_35 = vector.load %arg7[%swap3A_33, %swap3A_34] : memref<512x128xf32, #tpu.memory_space<vmem>>, vector<512x128xf32>
    tpu.vector_store %arg7[%swap3A_33, %swap3A_34], %mul3A_32 {strides = array<i32>} : memref<512x128xf32, #tpu.memory_space<vmem>>, vector<512x128xf32>,
    return
  }
  func.func @transform_0(%arg0: i32) -> (i32, i32) {
    %c0_i32 = arith.constant 0 : i32
    %c0_i32_0 = arith.constant 0 : i32
    return %arg0, %c0_i32 : i32, i32
  }
  func.func @transform_1(%arg0: i32) -> (i32, i32) {
    %c0_i32 = arith.constant 0 : i32
    %c0_i32_0 = arith.constant 0 : i32
    return %arg0, %c0_i32 : i32, i32
  }
  func.func @transform_2(%arg0: i32) -> (i32, i32) {
    %c0_i32 = arith.constant 0 : i32
    %c0_i32_0 = arith.constant 0 : i32
    return %arg0, %c0_i32 : i32, i32
  }
  func.func @transform_3(%arg0: i32) -> (i32, i32) {
    %c0_i32 = arith.constant 0 : i32
    %c0_i32_0 = arith.constant 0 : i32
    %c0_i32_1 = arith.constant 0 : i32
    return %c0_i32, %c0_i32_0 : i32, i32
  }
  func.func @transform_4(%arg0: i32) -> (i32, i32) {
    %c0_i32 = arith.constant 0 : i32
    %c0_i32_0 = arith.constant 0 : i32
    %c0_i32_1 = arith.constant 0 : i32
    return %c0_i32, %c0_i32_0 : i32, i32
  }
  func.func @transform_5(%arg0: i32) -> (i32, i32) {
    %c0_i32 = arith.constant 0 : i32
    %c0_i32_0 = arith.constant 0 : i32
    return %arg0, %c0_i32 : i32, i32
  }
  func.func @transform_6(%arg0: i32) -> (i32, i32) {
    %c0_i32 = arith.constant 0 : i32
    %c0_i32_0 = arith.constant 0 : i32
    return %arg0, %c0_i32 : i32, i32
  }
}

</mosaic_0001>

<sc_bundles>
// kernel: body.8.cloned.1.call-start
scs
__scs_entry_jumppad:
0x0: {  	(pc) =	sbr.rel $0x88, $3  }
0x1: {  	(tag) =	ssettag $0x0;
	lr =	simm.s32 $0x1  }
0x2: {  	[smem:$0x3F97] =	sst lr;
	_ =	strace $0xD0000000  }
0x3: {  	_ = 	snop  }
0x4: {  	_ = 	snop  }
0x5: {  	_ = 	snop  }
0x6: {  	_ = 	snop  }
0x7: {  	_ = 	snop  }
__scs_overlays_trampoline_lowered:
0x8: {  	[smem:$0x3FA6] =	sst s0  }
0x9: {  	[smem:$0x3FA7] =	sst s1  }
0xa: {  	[smem:$0x3FA8] =	sst s2  }
0xb: {  	[smem:$0x3FA9] =	sst s3  }
0xc: {  	[smem:$0x3FAA] =	sst s4  }
0xd: {  	[smem:$0x3FAB] =	sst s5  }
0xe: {  	[smem:$0x3FAC] =	sst s6  }
0xf: {  	[smem:$0x3FAD] =	sst s7  }
0x10: {  	[smem:$0x3FAE] =	sst s8  }
0x11: {  	[smem:$0x3FAF] =	sst s9;
	s0 =	simm.s32 @!p0 $0x0  }
0x12: {  	s1 =	sld [smem:$0x3F95];
	s0 =	simm.s32 @p0 $0x1  }
0x13: {  	[smem:$0x3FB0] =	sst s0;
	s0 =	simm.s32 @!p1 $0x0  }
0x14: {  	s2 =	sld [smem:$0x3F94];
	s0 =	simm.s32 @p1 $0x1  }
0x15: {  	[smem:$0x3FB1] =	sst s0;
	s0 =	simm.s32 @!p2 $0x0  }
0x16: {  	s3 =	sld [smem:$0x3FDB];
	s0 =	simm.s32 @p2 $0x1  }
0x17: {  	s4 =	simm.s32 $0x1BF5;
	[smem:$0x3FB3] =	sst s0  }
0x18: {  	s0 =	sld [smem:$0x3F96];
	_ =	swait.ge [sflag:s4], $0x0  }
0x19: {  	s7 =	sld [smem:$0x3F97]  }
0x1a: {  	s8 =	sadd.s32 $0xFFFFE003, lr  }
0x1b: {  	s9 =	sadd.s32 $0xFFFFFEF7, lr;
	s5 =	simm.s32 $0xFFFFFFFF;
	p2 =	slt.u32 s8, $0xFFFFF086  }
0x1c: {  	p1 =	slt.u32 s9, $0xF7A;
	s5 =	simm.s32 @!p2 $0x0  }
0x1d: {  	s5 =	simm.s32 @p1 $0x1;
	p0 =	seq.s32 s7, s2  }
0x1e: {  	s7 =	smul.u32 @!p0 $0xF7A, s2;
	p2 =	seq.s32 @!p0 s5, $0x0  }
0x1f: {  	s9 =	smul.u32 $0xF7A, s1;
	s8 =	simm.s32 @!p0 $0x1BF5;
	p2 =	por !p2, p0  }
0x20: {  	[sflag:s8] =	ssyncset.s32 @!p0 $0xFFFFF086;
	s6 =	sadd.s32 @!p0 s3, s7;
	s7 =	simm.s32 @!p0 $0x108  }
0x21: {  	s3 =	sadd.s32 s3, s9;
	s6 =	sadd.s32 @!p0 $0x88, s6;
	s7 =	simm.s32 @p2 $0x1082  }
0x22: {  	[simem:s7], [sflag:s8] =	dma.local @!p0 [hbm:s6], $0xF7A  }
0x23: {  	s9 =	sor.u32 $0xD0000000, s2;
	s6 =	simm.s32 $0x108;
	_ =	swait.ge @!p0 [sflag:s8], $0x0  }
0x24: {  	s3 =	sadd.s32 $0x88, s3;
	s6 =	simm.s32 @!p1 $0x1082;
	[sflag:s4] =	ssyncset.s32 $0xFFFFF086  }
0x25: {  	[simem:s6], [sflag:s4] =	dma.local [hbm:s3], $0xF7A  }
0x26: {  	[smem:$0x3F97] =	sst s1;
	(tag) =	ssettag s2;
	_ =	strace s9  }
0x27: {  	s1 =	sld [smem:$0x3FA7]  }
0x28: {  	s2 =	sld [smem:$0x3FA8]  }
0x29: {  	s4 =	sld [smem:$0x3FAA]  }
0x2a: {  	p0 =	seq.s32 s5, $0x0;
	s5 =	sld [smem:$0x3FAB]  }
0x2b: {  	s6 =	sld [smem:$0x3FAC]  }
0x2c: {  	s7 =	sld [smem:$0x3FAD]  }
0x2d: {  	s3 =	simm.s32 $0x108;
	s8 =	sld [smem:$0x3FAE]  }
0x2e: {  	s3 =	simm.s32 @!p0 $0x1082;
	s9 =	sld [smem:$0x3FAF]  }
0x2f: {  	lr =	sadd.s32 s0, s3;
	s0 =	sld [smem:$0x3FA6]  }
0x30: {  	s3 =	sld [smem:$0x3FA9]  }
0x31: {  	[smem:$0x3FB2] =	sst s10  }
0x32: {  	s10 =	sld [smem:$0x3FB0];
	_ =	sdelay $0x3  }
0x33: {  	p0 =	seq.s32 s10, $0x1;
	s10 =	sld [smem:$0x3FB2];
	_ =	sdelay $0x3  }
0x34: {  	[smem:$0x3FB2] =	sst s10  }
0x35: {  	s10 =	sld [smem:$0x3FB1];
	_ =	sdelay $0x3  }
0x36: {  	p1 =	seq.s32 s10, $0x1;
	s10 =	sld [smem:$0x3FB2];
	_ =	sdelay $0x3  }
0x37: {  	[smem:$0x3FB2] =	sst s10  }
0x38: {  	s10 =	sld [smem:$0x3FB3]  }
0x39: {  	_ = 	snop;
	(pc) =	sbr.ind lr, $3  }
0x3a: {  	_ = 	snop  }
0x3b: {  	_ = 	snop  }
0x3c: {  	p2 =	seq.s32 s10, $0x1;
	s10 =	sld [smem:$0x3FB2]  }
0x3d: {  	_ =	shalt  }
0x3e: {  	_ =	shalt  }
0x3f: {  	_ =	shalt  }
0x40: {  	_ =	shalt  }
0x41: {  	_ =	shalt  }
0x42: {  	_ =	shalt  }
0x43: {  	_ =	shalt  }
0x44: {  	_ =	shalt  }
0x45: {  	_ =	shalt  }
0x46: {  	_ =	shalt  }
0x47: {  	_ =	shalt  }
0x48: {  	_ =	shalt  }
0x49: {  	_ =	shalt  }
0x4a: {  	_ =	shalt  }
0x4b: {  	_ =	shalt  }
0x4c: {  	_ =	shalt  }
0x4d: {  	_ =	shalt  }
0x4e: {  	_ =	shalt  }
0x4f: {  	_ =	shalt  }
0x50: {  	_ =	shalt  }
0x51: {  	_ =	shalt  }
0x52: {  	_ =	shalt  }
0x53: {  	_ =	shalt  }
0x54: {  	_ =	shalt  }
0x55: {  	_ =	shalt  }
0x56: {  	_ =	shalt  }
0x57: {  	_ =	shalt  }
0x58: {  	_ =	shalt  }
0x59: {  	_ =	shalt  }
0x5a: {  	_ =	shalt  }
0x5b: {  	_ =	shalt  }
0x5c: {  	_ =	shalt  }
0x5d: {  	_ =	shalt  }
0x5e: {  	_ =	shalt  }
0x5f: {  	_ =	shalt  }
0x60: {  	_ =	shalt  }
0x61: {  	_ =	shalt  }
0x62: {  	_ =	shalt  }
0x63: {  	_ =	shalt  }
0x64: {  	_ =	shalt  }
0x65: {  	_ =	shalt  }
0x66: {  	_ =	shalt  }
0x67: {  	_ =	shalt  }
0x68: {  	_ =	shalt  }
0x69: {  	_ =	shalt  }
0x6a: {  	_ =	shalt  }
0x6b: {  	_ =	shalt  }
0x6c: {  	_ =	shalt  }
0x6d: {  	_ =	shalt  }
0x6e: {  	_ =	shalt  }
0x6f: {  	_ =	shalt  }
0x70: {  	_ =	shalt  }
0x71: {  	_ =	shalt  }
0x72: {  	_ =	shalt  }
0x73: {  	_ =	shalt  }
0x74: {  	_ =	shalt  }
0x75: {  	_ =	shalt  }
0x76: {  	_ =	shalt  }
0x77: {  	_ =	shalt  }
0x78: {  	_ =	shalt  }
0x79: {  	_ =	shalt  }
0x7a: {  	_ =	shalt  }
0x7b: {  	_ =	shalt  }
0x7c: {  	_ =	shalt  }
0x7d: {  	_ =	shalt  }
0x7e: {  	_ =	shalt  }
0x7f: {  	_ =	shalt  }
0x80: {  	_ =	shalt  }
0x81: {  	_ =	shalt  }
0x82: {  	_ =	shalt  }
0x83: {  	_ =	shalt  }
0x84: {  	_ =	shalt  }
0x85: {  	_ =	shalt  }
0x86: {  	_ =	shalt  }
0x87: {  	_ =	shalt  }
.Lfunc_end0:
.L_simem_size_0:
called_computation_lowered:
.L_overlay_start_0:
0x88: {  	s2 =	sld [smem:$0x3FD9]  }
0x89: {  	s3 =	sld [smem:$0x3FFE];
	_ =	sdelay $0x1  }
0x8a: {  	s1 =	srdreg.scid  }
0x8b: {  	s0 =	sand.u32 $0x1, s1  }
0x8c: {  	s17 =	sshll.u32 s0, $0xA;
	s2 =	sadd.s32 s3, s2  }
0x8d: {  	s2 =	sadd.s32 s2, s17  }
0x8e: {  	[smem:$0x3FBE] =	sst s2  }
0x8f: {  	_ = 	snop  }
0x90: {  	s2 =	sld [smem:$0x3FD0];
	(tm) =	ssettm $0x1  }
0x91: {  	s18 =	sld [smem:$0x3FFB];
	_ =	sdelay $0x3  }
0x92: {  	_ =	strace s18  }
0x93: {  	s3 =	sld [smem:$0x3FFC];
	_ =	sdelay $0x3  }
0x94: {  	_ =	strace s3  }
0x95: {  	s3 =	sld [smem:$0x3FFD];
	_ =	sdelay $0x3  }
0x96: {  	_ =	strace s3  }
0x97: {  	_ =	strace $0x8FFFFFFF  }
0x98: {  	s19 =	sld [smem:$0x3FDB];
	_ =	sdelay $0x1  }
0x99: {  	s4 =	simm.s32 $_scs_section_size  }
0x9a: {  	s5 =	simm.s32 $_size__tile_overlayer_lowered;
	s6 =	simm.s32 $_tile_overlayer_lowered  }
0x9b: {  	s22 =	simm.s32 $0x1BFF;
	s21 =	sshll.u32 s6, $0x1;
	s3 =	sadd.s32 s4, s19  }
0x9c: {  	s7 =	simm.s32 $0x0;
	s20 =	sshll.u32 s5, $0x1;
	s5 =	sadd.s32 s21, s3  }
0x9d: {  	[timem:s7], [sflag:s22] =	dma.local [hbm:s5], s20  }
0x9e: {  	_ =	swait.ge [sflag:s22], s20  }
0x9f: {  	s4 =	ssub.s32 $0x0, s20;
	[sflag:s22] =	ssyncset.done $0x0  }
0xa0: {  	[sflag:s22] =	ssyncadd.s32 s4;
	_ =	sdelay $0x1  }
0xa1: {  	s23 =	simm.s32 $0x1B8B  }
0xa2: {  	_ =	swait.ge [sflag:s23], $0x1  }
0xa3: {  	[sflag:s23] =	ssyncset.done $0x0  }
0xa4: {  	s25 =	simm.s32 $0x1B8E;
	s24 =	sld [smem:$0x3FFE];
	[sflag:s23] =	ssyncadd.s32 $0xFFFFFFFF  }
0xa5: {  	s26 =	simm.s32 $execute0_lowered;
	[smem:$0x3FD2] =	sst s25  }
0xa6: {  	s5 =	sshll.u32 s26, $0x1;
	_ =	strace $0x80000049;
	[dreg:$0x1] =	wrdreg $0xFFFFFFFF  }
0xa7: {  	s28 =	simm.s32 $_size_execute0_lowered;
	s3 =	sadd.s32 s3, s5;
	[dreg:$0x0] =	wrdreg $0x0  }
0xa8: {  	s5 =	sshll.u32 s28, $0x1;
	[dreg:$0x2] =	wrdreg s3  }
0xa9: {  	[dreg:$0x3] =	wrdreg s5  }
0xaa: {  	[dreg:$0x4] =	wrdreg $0xC0  }
0xab: {  	_ =	task [dreg:s7], $0x5FFFF  }
0xac: {  	[dreg:$0x1] =	wrdreg $0xFFFFFFFF  }
0xad: {  	[dreg:$0x0] =	wrdreg $0x60  }
0xae: {  	[dreg:$0x2] =	wrdreg s24  }
0xaf: {  	[dreg:$0x3] =	wrdreg s2  }
0xb0: {  	[dreg:$0x4] =	wrdreg $0x120000  }
0xb1: {  	[dreg:$0x5] =	wrdreg $0x9  }
0xb2: {  	_ =	task.clear_ibuf [dreg:s7], $0x6FFFF;
	_ =	strace $0x90000049  }
0xb3: {  	s29 =	simm.s32 $0x9;
	_ =	strace $0x8000004B  }
0xb4: {  	_ =	swait.ge [sflag:s29], $0x1  }
0xb5: {  	[sflag:s29] =	ssyncadd.s32 $0xFFFFFFFF  }
0xb6: {  	_ =	strace $0x9000004B  }
0xb7: {  	_ =	sfence  }
0xb8: {  	s30 =	sld [smem:$0x0];
	_ =	sdelay $0x2  }
0xb9: {  	s31 =	sshll.u32 s1, $0xD;
	s1 =	sshrl.u32 s1, $0x2  }
0xba: {  	s3 =	sand.u32 $0x4000, s31;
	s1 =	sadd.s32 s1, s30  }
0xbb: {  	s0 =	sor.u32 s3, s0;
	s1 =	sshll.u32 s1, $0x11  }
0xbc: {  	s0 =	sor.u32 s1, s0  }
0xbd: {  	s0 =	sadd.s32 $0x8F2B, s0  }
0xbe: {  	[sflag:s0] =	ssyncadd.remote.s32 $0x1  }
0xbf: {  	_ =	sfence.sel $0xFFFF  }
0xc0: {  	[dreg:$0x0] =	wrdreg $0xFFFFFFFF;
	(pc) =	sbr.abs _section_cstart, $3  }
0xc1: {  	[dreg:$0x1] =	wrdreg $0xFFFFFFFF  }
0xc2: {  	_ =	task.clear_ibuf [dreg:s7], $0x2FFFF;
	_ =	strace $0x9FFFFFFF  }
0xc3: {  	(tm) =	ssettm $0x7FFFFFFF  }
tec
execute0_lowered:
.L_overlay_start_1:
0x0: {  	(tag) =	ssettag $0x1  }
0x1: {  	s6 =	rddreg [dreg:$0x0]  }
0x2: {  	s0 =	stileid.u32;
	s1 =	srdreg.scid  }
0x3: {  	s2 =	rddreg [dreg:$0x1];
	s7 =	smul.u32 $0x5000, s0  }
0x4: {  	s3 =	rddreg [dreg:$0x2];
	s4 =	simm.s32 $0x0;
	s11 =	smul.u32 $0xA000, s0  }
0x5: {  	s16 =	simm.s32 $0x5000;
	s17 =	simm.s32 $0x80;
	s26 =	smul.u32 $0x29000, s0  }
0x6: {  	s18 =	simm.s32 $0xA000;
	s8 =	sand.u32 $0x1, s1;
	s14 =	smul.u32 $0x28000, s0  }
0x7: {  	s19 =	simm.s32 $0xE000;
	[smem:$0x7FF] =	sst s4;
	s9 =	smul.u32 $0x50000, s8  }
0x8: {  	s5 =	sadd.s32 $0x48200, s6;
	s25 =	sshll.u32 s0, $0x6;
	s10 =	smul.u32 $0xA0000, s8  }
0x9: {  	_ =	strace $0x8000004A;
	s23 =	ssub.s32 $0x2, s8;
	s12 =	sshrl.u32 s7, $0x3  }
0xa: {  	s24 =	sshrl.u32 s23, $0x1;
	s28 =	sshrl.u32 s26, $0x2;
	s29 =	sshrl.u32 s14, $0x2  }
0xb: {  	s26 =	simm.s32 $0x0;
	s7 =	sadd.s32 s7, s9;
	s20 =	sadd.s32 s11, s10  }
0xc: {  	s21 =	sadd.s32 s12, s6;
	s13 =	ssub.s32 s23, s24;
	s12 =	sadd.s32 s28, s3  }
0xd: {  	s23 =	simm.s32 $0x9F00;
	s24 =	simm.s32 $0x9F80;
	s7 =	sshrl.u32 s7, $0x3  }
0xe: {  	s9 =	sshrl.u32 s20, $0x3;
	s10 =	smax.u32 s13, $0x1;
	s30 =	sadd.s32 $0x2900, s12  }
0xf: {  	s31 =	sadd.s32 $0x5200, s12;
	s15 =	sadd.s32 $0x7B00, s12;
	s11 =	sshrl.u32 s12, $0x3  }
0x10: {  	s12 =	simm.s32 $0x3;
	s20 =	simm.s32 $0x1;
	s22 =	sadd.s32 s7, s6  }
0x11: {  	s9 =	sadd.s32 s9, s6;
	s6 =	sor.u32 $0x1C03, s25;
	s7 =	sadd.s32 $0x16200, s21  }
0x12: {  	s25 =	sadd.s32 s29, s3;
	s13 =	sshrl.u32 s30, $0x3;
	s14 =	sshrl.u32 s31, $0x3  }
0x13: {  	s15 =	sshrl.u32 s15, $0x3;
	s21 =	simm.s32 $0x2;
	s8 =	sadd.s32 $0x2200, s22  }
0x14: {  	s9 =	sadd.s32 $0x70600, s9;
	s22 =	simm.s32 $0x4F80;
	s25 =	sshrl.u32 s25, $0x3  }
.LBB2_1:
0x15: {  	[spmem:s11], [sflag:s6] =	dma.local [hbm:s2], $0x520  }
0x16: {  	_ =	swait.ge [sflag:s12], $0x520  }
0x17: {  	[sflag:s12] =	ssyncset.done $0x0  }
0x18: {  	[sflag:s12] =	ssyncadd.s32 $0xFFFFFAE0  }
0x19: {  	[spmem:s13], [sflag:s6] =	dma.local [hbm:s2], $0x520  }
0x1a: {  	_ =	swait.ge [sflag:s12], $0x520  }
0x1b: {  	[sflag:s12] =	ssyncset.done $0x0  }
0x1c: {  	[sflag:s12] =	ssyncadd.s32 $0xFFFFFAE0  }
0x1d: {  	[spmem:s14], [sflag:s6] =	dma.local [hbm:s2], $0x520  }
0x1e: {  	_ =	swait.ge [sflag:s12], $0x520  }
0x1f: {  	[sflag:s12] =	ssyncset.done $0x0  }
0x20: {  	[sflag:s12] =	ssyncadd.s32 $0xFFFFFAE0  }
0x21: {  	[spmem:s15], [sflag:s6] =	dma.local [hbm:s2], $0x520  }
0x22: {  	_ =	swait.ge [sflag:s12], $0x520  }
0x23: {  	[sflag:s12] =	ssyncset.done $0x0  }
0x24: {  	[sflag:s12] =	ssyncadd.s32 $0xFFFFFAE0  }
0x25: {  	[tilespmem:s4], [sflag:$0x3] =	stream.linear.gather [hbm4b:s7+s4], $0x5000, $0x38;
	[tilespmem:$0x1C400] =	vst v63  }
0x26: {  	_ =	swait.ge [sflag:s12], $0x5000  }
0x27: {  	[sflag:s12] =	ssyncset.done $0x0  }
0x28: {  	[sflag:s12] =	ssyncadd.s32 $0xFFFFB000  }
0x29: {  	[tilespmem:s16], [sflag:$0x3] =	stream.linear.gather [hbm4b:s8+s4], $0x5000, $0x38;
	[tilespmem:$0x1C400] =	vst v63  }
0x2a: {  	_ =	swait.ge [sflag:s12], $0x5000  }
0x2b: {  	[sflag:s12] =	ssyncset.done $0x0  }
0x2c: {  	[sflag:s12] =	ssyncadd.s32 $0xFFFFB000  }
0x2d: {  	[bflag:$0x0] =	sbarrier.arrive $0xFFFF  }
0x2e: {  	[tilespmem:s18], [sflag:$0x1] =	stream.indirect.gather [hbm4b:s5+s17], $0x80, s4, s17, $0xb8;
	[tilespmem:$0x1C400] =	vst v63  }
0x2f: {  	s28 =	simm.s32 $0x80  }
0x30: {  	[tilespmem:s19], [sflag:$0x2] =	stream.indirect.gather [hbm4b:s5+s17], $0x80, s28, s17, $0xb8;
	[tilespmem:$0x1C400] =	vst v63  }
0x31: {  	_ =	swait.ge [sflag:s20], $0x4000  }
0x32: {  	[sflag:s20] =	ssyncset.done $0x0  }
0x33: {  	s28 =	simm.s32 $0x5000;
	[sflag:s20] =	ssyncadd.s32 $0xFFFFC000  }
0x34: {  	[spmem:s3] =	stream.indirect.scatter.add.f32 [tilespmem:s18], [sflag:$0x3], $0x80, s28, s17, $0xb8;
	[tilespmem:$0x1C400] =	vst v63  }
0x35: {  	_ =	swait.ge [sflag:s12], $0x4000  }
0x36: {  	[sflag:s12] =	ssyncset.done $0x0  }
0x37: {  	s28 =	simm.s32 $0x100;
	[sflag:s12] =	ssyncadd.s32 $0xFFFFC000  }
0x38: {  	[tilespmem:s18], [sflag:$0x1] =	stream.indirect.gather [hbm4b:s5+s17], $0x80, s28, s17, $0xb8;
	[tilespmem:$0x1C400] =	vst v63  }
0x39: {  	_ =	swait.ge [sflag:s21], $0x4000  }
0x3a: {  	[sflag:s21] =	ssyncset.done $0x0  }
0x3b: {  	s28 =	simm.s32 $0x5080;
	[sflag:s21] =	ssyncadd.s32 $0xFFFFC000  }
0x3c: {  	[spmem:s3] =	stream.indirect.scatter.add.f32 [tilespmem:s19], [sflag:$0x3], $0x80, s28, s17, $0xb8;
	[tilespmem:$0x1C400] =	vst v63  }
0x3d: {  	_ =	swait.ge [sflag:s12], $0x4000  }
0x3e: {  	s29 =	simm.s32 $0x800;
	s28 =	simm.s32 $0x100;
	[sflag:s12] =	ssyncset.done $0x0  }
.LBB2_2:
0x3f: {  	s30 =	sadd.s32 $0x80, s28  }
0x40: {  	[sflag:s12] =	ssyncadd.s32 $0xFFFFC000;
	s31 =	smov.u32 s29;
	s1 =	sadd.s32 $0x400, s29  }
0x41: {  	[tilespmem:s19], [sflag:$0x2] =	stream.indirect.gather [hbm4b:s5+s17], $0x80, s30, s17, $0xb8;
	[tilespmem:$0x1C400] =	vst v63  }
0x42: {  	p0 =	sne.s32 s29, $0x13800;
	_ =	swait.ge [sflag:s20], $0x4000  }
0x43: {  	[sflag:s20] =	ssyncset.done $0x0  }
0x44: {  	s29 =	sadd.s32 $0x5000, s28;
	[sflag:s20] =	ssyncadd.s32 $0xFFFFC000  }
0x45: {  	[spmem:s3] =	stream.indirect.scatter.add.f32 [tilespmem:s18], [sflag:$0x3], $0x80, s29, s17, $0xb8;
	[tilespmem:$0x1C400] =	vst v63  }
0x46: {  	_ =	swait.ge [sflag:s12], $0x4000  }
0x47: {  	[sflag:s12] =	ssyncset.done $0x0  }
0x48: {  	s29 =	sadd.s32 $0x100, s28;
	[sflag:s12] =	ssyncadd.s32 $0xFFFFC000  }
0x49: {  	[tilespmem:s18], [sflag:$0x1] =	stream.indirect.gather [hbm4b:s5+s17], $0x80, s29, s17, $0xb8;
	[tilespmem:$0x1C400] =	vst v63  }
0x4a: {  	_ =	swait.ge [sflag:s21], $0x4000  }
.Ltmp0:
0x4b: {  	[sflag:s21] =	ssyncset.done $0x0;
	(pc) =	sbr.rel @p0 .LBB2_2-.Ltmp0, $4  }
0x4c: {  	s28 =	sadd.s32 $0x5080, s28;
	[sflag:s21] =	ssyncadd.s32 $0xFFFFC000  }
0x4d: {  	[spmem:s3] =	stream.indirect.scatter.add.f32 [tilespmem:s19], [sflag:$0x3], $0x80, s28, s17, $0xb8;
	[tilespmem:$0x1C400] =	vst v63  }
0x4e: {  	_ =	swait.ge [sflag:s12], $0x4000  }
0x4f: {  	s29 =	smov.u32 s1;
	s28 =	sshra.s32 s31, $0x2;
	[sflag:s12] =	ssyncset.done $0x0  }
0x50: {  	s1 =	sadd.s32 $0x80, s28;
	[sflag:s12] =	ssyncadd.s32 $0xFFFFC000  }
0x51: {  	[tilespmem:s19], [sflag:$0x2] =	stream.indirect.gather [hbm4b:s5+s17], $0x80, s1, s17, $0xb8;
	[tilespmem:$0x1C400] =	vst v63  }
0x52: {  	_ =	swait.ge [sflag:s20], $0x4000  }
0x53: {  	[sflag:s20] =	ssyncset.done $0x0  }
0x54: {  	s29 =	sadd.s32 $0x5000, s28;
	[sflag:s20] =	ssyncadd.s32 $0xFFFFC000  }
0x55: {  	[spmem:s3] =	stream.indirect.scatter.add.f32 [tilespmem:s18], [sflag:$0x3], $0x80, s29, s17, $0xb8;
	[tilespmem:$0x1C400] =	vst v63  }
0x56: {  	_ =	swait.ge [sflag:s12], $0x4000  }
0x57: {  	[sflag:s12] =	ssyncset.done $0x0  }
0x58: {  	s30 =	sadd.s32 $0x100, s28;
	[sflag:s12] =	ssyncadd.s32 $0xFFFFC000  }
0x59: {  	[tilespmem:s18], [sflag:$0x1] =	stream.indirect.gather [hbm4b:s5+s17], $0x80, s30, s17, $0xb8;
	[tilespmem:$0x1C400] =	vst v63  }
0x5a: {  	_ =	swait.ge [sflag:s21], $0x4000  }
0x5b: {  	[sflag:s21] =	ssyncset.done $0x0  }
0x5c: {  	s31 =	sadd.s32 $0x5080, s28;
	[sflag:s21] =	ssyncadd.s32 $0xFFFFC000  }
0x5d: {  	[spmem:s3] =	stream.indirect.scatter.add.f32 [tilespmem:s19], [sflag:$0x3], $0x80, s31, s17, $0xb8;
	[tilespmem:$0x1C400] =	vst v63  }
0x5e: {  	_ =	swait.ge [sflag:s12], $0x4000  }
0x5f: {  	[sflag:s12] =	ssyncset.done $0x0  }
0x60: {  	[sflag:s12] =	ssyncadd.s32 $0xFFFFC000  }
0x61: {  	[tilespmem:s19], [sflag:$0x2] =	stream.indirect.gather [hbm4b:s5+s17], $0x80, s22, s17, $0xb8;
	[tilespmem:$0x1C400] =	vst v63  }
0x62: {  	_ =	swait.ge [sflag:s20], $0x4000  }
0x63: {  	[sflag:s20] =	ssyncset.done $0x0  }
0x64: {  	[sflag:s20] =	ssyncadd.s32 $0xFFFFC000  }
0x65: {  	[spmem:s3] =	stream.indirect.scatter.add.f32 [tilespmem:s18], [sflag:$0x3], $0x80, s23, s17, $0xb8;
	[tilespmem:$0x1C400] =	vst v63  }
0x66: {  	_ =	swait.ge [sflag:s12], $0x4000  }
0x67: {  	[sflag:s12] =	ssyncset.done $0x0  }
0x68: {  	[sflag:s12] =	ssyncadd.s32 $0xFFFFC000  }
0x69: {  	_ =	swait.ge [sflag:s21], $0x4000  }
0x6a: {  	[sflag:s21] =	ssyncset.done $0x0  }
0x6b: {  	[sflag:s21] =	ssyncadd.s32 $0xFFFFC000  }
0x6c: {  	[spmem:s3] =	stream.indirect.scatter.add.f32 [tilespmem:s19], [sflag:$0x3], $0x80, s24, s17, $0xb8;
	[tilespmem:$0x1C400] =	vst v63  }
0x6d: {  	_ =	swait.ge [sflag:s12], $0x4000  }
0x6e: {  	s26 =	sadd.s32 $0x1, s26;
	[sflag:s12] =	ssyncset.done $0x0  }
0x6f: {  	p0 =	sne.s32 s26, s10;
	[sflag:s12] =	ssyncadd.s32 $0xFFFFC000  }
.Ltmp1:
0x70: {  	[bflag:$0x0] =	sbarrier.arrive $0xFFFF;
	(pc) =	sbr.rel @p0 .LBB2_1-.Ltmp1, $4  }
0x71: {  	[hbm:s9], [sflag:s6] =	dma.local [spmem:s25], $0x1400  }
0x72: {  	_ =	swait.ge [sflag:s12], $0x1400  }
0x73: {  	[sflag:s12] =	ssyncset.done $0x0  }
0x74: {  	[sflag:s12] =	ssyncadd.s32 $0xFFFFEC00  }
0x75: {  	_ =	sfence.sel $0x180000  }
0x76: {  	[bflag:$0x0] =	sbarrier.arrive $0xFFFF  }
0x77: {  	_ =	strace $0x9000004A  }
0x78: {  	[bflag:$0x2] =	sbarrier.arrive $0xFFFF  }
0x79: {  	p0 =	sne.s32 s0, $0x0;
	s0 =	rddreg [dreg:$0x3]  }
0x7a: {  	s0 =	sadd.s32 @!p0 $0x100000, s0  }
0x7b: {  	[sflag:s0] =	ssyncadd.tile.s32 @!p0 $0x1;
	_ =	shalt  }
.Lfunc_end2:
_tile_overlayer_lowered:
.L_overlay_start_2:
0x7c: {  	(tag) =	ssettag $0x2  }
0x7d: {  	s0 =	rddreg [dreg:$0x0];
	s2 =	stileid.u32  }
0x7e: {  	s1 =	rddreg [dreg:$0x1];
	p0 =	sne.s32 s2, $0x0  }
0x7f: {  	s3 =	rddreg [dreg:$0x2];
	[bflag:$0x3] =	sbarrier.arrive $0xFFFF;
	s2 =	simm.s32 @!p0 $0x1C03  }
0x80: {  	[timem:s3], [sflag:s2] =	dma.local @!p0 [hbm:s0], s1  }
0x81: {  	s0 =	simm.s32 @!p0 $0x3  }
0x82: {  	_ =	swait.ge @!p0 [sflag:s0], s1  }
0x83: {  	s1 =	ssub.s32 @!p0 $0x0, s1;
	[sflag:s0] =	ssyncset.done @!p0 $0x0  }
0x84: {  	[sflag:s0] =	ssyncadd.s32 @!p0 s1  }
0x85: {  	[bflag:$0x3] =	sbarrier.arrive $0xFFFF  }
0x86: {  	_ =	shalt  }

// kernel: kernel.6.cloned.1.call-start
scs
__scs_entry_jumppad:
0x0: {  	(pc) =	sbr.rel $0x88, $3  }
0x1: {  	(tag) =	ssettag $0x0;
	lr =	simm.s32 $0x1  }
0x2: {  	[smem:$0x3F97] =	sst lr;
	_ =	strace $0xD0000000  }
0x3: {  	_ = 	snop  }
0x4: {  	_ = 	snop  }
0x5: {  	_ = 	snop  }
0x6: {  	_ = 	snop  }
0x7: {  	_ = 	snop  }
__scs_overlays_trampoline_lowered:
0x8: {  	[smem:$0x3FA6] =	sst s0  }
0x9: {  	[smem:$0x3FA7] =	sst s1  }
0xa: {  	[smem:$0x3FA8] =	sst s2  }
0xb: {  	[smem:$0x3FA9] =	sst s3  }
0xc: {  	[smem:$0x3FAA] =	sst s4  }
0xd: {  	[smem:$0x3FAB] =	sst s5  }
0xe: {  	[smem:$0x3FAC] =	sst s6  }
0xf: {  	[smem:$0x3FAD] =	sst s7  }
0x10: {  	[smem:$0x3FAE] =	sst s8  }
0x11: {  	[smem:$0x3FAF] =	sst s9;
	s0 =	simm.s32 @!p0 $0x0  }
0x12: {  	s1 =	sld [smem:$0x3F95];
	s0 =	simm.s32 @p0 $0x1  }
0x13: {  	[smem:$0x3FB0] =	sst s0;
	s0 =	simm.s32 @!p1 $0x0  }
0x14: {  	s2 =	sld [smem:$0x3F94];
	s0 =	simm.s32 @p1 $0x1  }
0x15: {  	[smem:$0x3FB1] =	sst s0;
	s0 =	simm.s32 @!p2 $0x0  }
0x16: {  	s3 =	sld [smem:$0x3FDB];
	s0 =	simm.s32 @p2 $0x1  }
0x17: {  	s4 =	simm.s32 $0x1BF5;
	[smem:$0x3FB3] =	sst s0  }
0x18: {  	s0 =	sld [smem:$0x3F96];
	_ =	swait.ge [sflag:s4], $0x0  }
0x19: {  	s7 =	sld [smem:$0x3F97]  }
0x1a: {  	s8 =	sadd.s32 $0xFFFFE003, lr  }
0x1b: {  	s9 =	sadd.s32 $0xFFFFFEF7, lr;
	s5 =	simm.s32 $0xFFFFFFFF;
	p2 =	slt.u32 s8, $0xFFFFF086  }
0x1c: {  	p1 =	slt.u32 s9, $0xF7A;
	s5 =	simm.s32 @!p2 $0x0  }
0x1d: {  	s5 =	simm.s32 @p1 $0x1;
	p0 =	seq.s32 s7, s2  }
0x1e: {  	s7 =	smul.u32 @!p0 $0xF7A, s2;
	p2 =	seq.s32 @!p0 s5, $0x0  }
0x1f: {  	s9 =	smul.u32 $0xF7A, s1;
	s8 =	simm.s32 @!p0 $0x1BF5;
	p2 =	por !p2, p0  }
0x20: {  	[sflag:s8] =	ssyncset.s32 @!p0 $0xFFFFF086;
	s6 =	sadd.s32 @!p0 s3, s7;
	s7 =	simm.s32 @!p0 $0x108  }
0x21: {  	s3 =	sadd.s32 s3, s9;
	s6 =	sadd.s32 @!p0 $0x88, s6;
	s7 =	simm.s32 @p2 $0x1082  }
0x22: {  	[simem:s7], [sflag:s8] =	dma.local @!p0 [hbm:s6], $0xF7A  }
0x23: {  	s9 =	sor.u32 $0xD0000000, s2;
	s6 =	simm.s32 $0x108;
	_ =	swait.ge @!p0 [sflag:s8], $0x0  }
0x24: {  	s3 =	sadd.s32 $0x88, s3;
	s6 =	simm.s32 @!p1 $0x1082;
	[sflag:s4] =	ssyncset.s32 $0xFFFFF086  }
0x25: {  	[simem:s6], [sflag:s4] =	dma.local [hbm:s3], $0xF7A  }
0x26: {  	[smem:$0x3F97] =	sst s1;
	(tag) =	ssettag s2;
	_ =	strace s9  }
0x27: {  	s1 =	sld [smem:$0x3FA7]  }
0x28: {  	s2 =	sld [smem:$0x3FA8]  }
0x29: {  	s4 =	sld [smem:$0x3FAA]  }
0x2a: {  	p0 =	seq.s32 s5, $0x0;
	s5 =	sld [smem:$0x3FAB]  }
0x2b: {  	s6 =	sld [smem:$0x3FAC]  }
0x2c: {  	s7 =	sld [smem:$0x3FAD]  }
0x2d: {  	s3 =	simm.s32 $0x108;
	s8 =	sld [smem:$0x3FAE]  }
0x2e: {  	s3 =	simm.s32 @!p0 $0x1082;
	s9 =	sld [smem:$0x3FAF]  }
0x2f: {  	lr =	sadd.s32 s0, s3;
	s0 =	sld [smem:$0x3FA6]  }
0x30: {  	s3 =	sld [smem:$0x3FA9]  }
0x31: {  	[smem:$0x3FB2] =	sst s10  }
0x32: {  	s10 =	sld [smem:$0x3FB0];
	_ =	sdelay $0x3  }
0x33: {  	p0 =	seq.s32 s10, $0x1;
	s10 =	sld [smem:$0x3FB2];
	_ =	sdelay $0x3  }
0x34: {  	[smem:$0x3FB2] =	sst s10  }
0x35: {  	s10 =	sld [smem:$0x3FB1];
	_ =	sdelay $0x3  }
0x36: {  	p1 =	seq.s32 s10, $0x1;
	s10 =	sld [smem:$0x3FB2];
	_ =	sdelay $0x3  }
0x37: {  	[smem:$0x3FB2] =	sst s10  }
0x38: {  	s10 =	sld [smem:$0x3FB3]  }
0x39: {  	_ = 	snop;
	(pc) =	sbr.ind lr, $3  }
0x3a: {  	_ = 	snop  }
0x3b: {  	_ = 	snop  }
0x3c: {  	p2 =	seq.s32 s10, $0x1;
	s10 =	sld [smem:$0x3FB2]  }
0x3d: {  	_ =	shalt  }
0x3e: {  	_ =	shalt  }
0x3f: {  	_ =	shalt  }
0x40: {  	_ =	shalt  }
0x41: {  	_ =	shalt  }
0x42: {  	_ =	shalt  }
0x43: {  	_ =	shalt  }
0x44: {  	_ =	shalt  }
0x45: {  	_ =	shalt  }
0x46: {  	_ =	shalt  }
0x47: {  	_ =	shalt  }
0x48: {  	_ =	shalt  }
0x49: {  	_ =	shalt  }
0x4a: {  	_ =	shalt  }
0x4b: {  	_ =	shalt  }
0x4c: {  	_ =	shalt  }
0x4d: {  	_ =	shalt  }
0x4e: {  	_ =	shalt  }
0x4f: {  	_ =	shalt  }
0x50: {  	_ =	shalt  }
0x51: {  	_ =	shalt  }
0x52: {  	_ =	shalt  }
0x53: {  	_ =	shalt  }
0x54: {  	_ =	shalt  }
0x55: {  	_ =	shalt  }
0x56: {  	_ =	shalt  }
0x57: {  	_ =	shalt  }
0x58: {  	_ =	shalt  }
0x59: {  	_ =	shalt  }
0x5a: {  	_ =	shalt  }
0x5b: {  	_ =	shalt  }
0x5c: {  	_ =	shalt  }
0x5d: {  	_ =	shalt  }
0x5e: {  	_ =	shalt  }
0x5f: {  	_ =	shalt  }
0x60: {  	_ =	shalt  }
0x61: {  	_ =	shalt  }
0x62: {  	_ =	shalt  }
0x63: {  	_ =	shalt  }
0x64: {  	_ =	shalt  }
0x65: {  	_ =	shalt  }
0x66: {  	_ =	shalt  }
0x67: {  	_ =	shalt  }
0x68: {  	_ =	shalt  }
0x69: {  	_ =	shalt  }
0x6a: {  	_ =	shalt  }
0x6b: {  	_ =	shalt  }
0x6c: {  	_ =	shalt  }
0x6d: {  	_ =	shalt  }
0x6e: {  	_ =	shalt  }
0x6f: {  	_ =	shalt  }
0x70: {  	_ =	shalt  }
0x71: {  	_ =	shalt  }
0x72: {  	_ =	shalt  }
0x73: {  	_ =	shalt  }
0x74: {  	_ =	shalt  }
0x75: {  	_ =	shalt  }
0x76: {  	_ =	shalt  }
0x77: {  	_ =	shalt  }
0x78: {  	_ =	shalt  }
0x79: {  	_ =	shalt  }
0x7a: {  	_ =	shalt  }
0x7b: {  	_ =	shalt  }
0x7c: {  	_ =	shalt  }
0x7d: {  	_ =	shalt  }
0x7e: {  	_ =	shalt  }
0x7f: {  	_ =	shalt  }
0x80: {  	_ =	shalt  }
0x81: {  	_ =	shalt  }
0x82: {  	_ =	shalt  }
0x83: {  	_ =	shalt  }
0x84: {  	_ =	shalt  }
0x85: {  	_ =	shalt  }
0x86: {  	_ =	shalt  }
0x87: {  	_ =	shalt  }
.Lfunc_end0:
.L_simem_size_0:
called_computation.1_lowered:
.L_overlay_start_0:
0x88: {  	s2 =	sld [smem:$0x3FD9]  }
0x89: {  	s3 =	sld [smem:$0x3FFE];
	_ =	sdelay $0x1  }
0x8a: {  	s1 =	srdreg.scid  }
0x8b: {  	s0 =	sand.u32 $0x1, s1  }
0x8c: {  	s17 =	sshll.u32 s0, $0xA;
	s2 =	sadd.s32 s3, s2  }
0x8d: {  	s2 =	sadd.s32 s2, s17  }
0x8e: {  	[smem:$0x3FBE] =	sst s2  }
0x8f: {  	_ = 	snop  }
0x90: {  	s2 =	sld [smem:$0x3FD0];
	(tm) =	ssettm $0x1  }
0x91: {  	s18 =	sld [smem:$0x3FFB];
	_ =	sdelay $0x3  }
0x92: {  	_ =	strace s18  }
0x93: {  	s3 =	sld [smem:$0x3FFC];
	_ =	sdelay $0x3  }
0x94: {  	_ =	strace s3  }
0x95: {  	s3 =	sld [smem:$0x3FFD];
	_ =	sdelay $0x3  }
0x96: {  	_ =	strace s3  }
0x97: {  	_ =	strace $0x8FFFFFFF  }
0x98: {  	s19 =	sld [smem:$0x3FDB];
	_ =	sdelay $0x1  }
0x99: {  	s4 =	simm.s32 $_scs_section_size  }
0x9a: {  	s5 =	simm.s32 $_size__tile_overlayer_lowered;
	s6 =	simm.s32 $_tile_overlayer_lowered  }
0x9b: {  	s22 =	simm.s32 $0x1BFF;
	s21 =	sshll.u32 s6, $0x1;
	s3 =	sadd.s32 s4, s19  }
0x9c: {  	s7 =	simm.s32 $0x0;
	s20 =	sshll.u32 s5, $0x1;
	s5 =	sadd.s32 s21, s3  }
0x9d: {  	[timem:s7], [sflag:s22] =	dma.local [hbm:s5], s20  }
0x9e: {  	_ =	swait.ge [sflag:s22], s20  }
0x9f: {  	s4 =	ssub.s32 $0x0, s20;
	[sflag:s22] =	ssyncset.done $0x0  }
0xa0: {  	[sflag:s22] =	ssyncadd.s32 s4;
	_ =	sdelay $0x1  }
0xa1: {  	s23 =	simm.s32 $0x1B8B  }
0xa2: {  	_ =	swait.ge [sflag:s23], $0x1  }
0xa3: {  	[sflag:s23] =	ssyncset.done $0x0  }
0xa4: {  	s25 =	simm.s32 $0x1B8E;
	s24 =	sld [smem:$0x3FFE];
	[sflag:s23] =	ssyncadd.s32 $0xFFFFFFFF  }
0xa5: {  	s26 =	simm.s32 $execute0_lowered;
	[smem:$0x3FD2] =	sst s25  }
0xa6: {  	s5 =	sshll.u32 s26, $0x1;
	_ =	strace $0x80000046;
	[dreg:$0x1] =	wrdreg $0xFFFFFFFF  }
0xa7: {  	s28 =	simm.s32 $_size_execute0_lowered;
	s3 =	sadd.s32 s3, s5;
	[dreg:$0x0] =	wrdreg $0x0  }
0xa8: {  	s5 =	sshll.u32 s28, $0x1;
	[dreg:$0x2] =	wrdreg s3  }
0xa9: {  	[dreg:$0x3] =	wrdreg s5  }
0xaa: {  	[dreg:$0x4] =	wrdreg $0xC0  }
0xab: {  	_ =	task [dreg:s7], $0x5FFFF  }
0xac: {  	[dreg:$0x1] =	wrdreg $0xFFFFFFFF  }
0xad: {  	[dreg:$0x0] =	wrdreg $0x60  }
0xae: {  	[dreg:$0x2] =	wrdreg s24  }
0xaf: {  	[dreg:$0x3] =	wrdreg s2  }
0xb0: {  	[dreg:$0x4] =	wrdreg $0x120000  }
0xb1: {  	[dreg:$0x5] =	wrdreg $0x9  }
0xb2: {  	_ =	task.clear_ibuf [dreg:s7], $0x6FFFF;
	_ =	strace $0x90000046  }
0xb3: {  	s29 =	simm.s32 $0x9;
	_ =	strace $0x80000048  }
0xb4: {  	_ =	swait.ge [sflag:s29], $0x1  }
0xb5: {  	[sflag:s29] =	ssyncadd.s32 $0xFFFFFFFF  }
0xb6: {  	_ =	strace $0x90000048  }
0xb7: {  	_ =	sfence  }
0xb8: {  	s30 =	sld [smem:$0x0];
	_ =	sdelay $0x2  }
0xb9: {  	s31 =	sshll.u32 s1, $0xD;
	s1 =	sshrl.u32 s1, $0x2  }
0xba: {  	s3 =	sand.u32 $0x4000, s31;
	s1 =	sadd.s32 s1, s30  }
0xbb: {  	s0 =	sor.u32 s3, s0;
	s1 =	sshll.u32 s1, $0x11  }
0xbc: {  	s0 =	sor.u32 s1, s0  }
0xbd: {  	s0 =	sadd.s32 $0x8F2B, s0  }
0xbe: {  	[sflag:s0] =	ssyncadd.remote.s32 $0x1  }
0xbf: {  	_ =	sfence.sel $0xFFFF  }
0xc0: {  	[dreg:$0x0] =	wrdreg $0xFFFFFFFF;
	(pc) =	sbr.abs _section_cstart, $3  }
0xc1: {  	[dreg:$0x1] =	wrdreg $0xFFFFFFFF  }
0xc2: {  	_ =	task.clear_ibuf [dreg:s7], $0x2FFFF;
	_ =	strace $0x9FFFFFFF  }
0xc3: {  	(tm) =	ssettm $0x7FFFFFFF  }
tec
execute0_lowered:
.L_overlay_start_1:
0x0: {  	(tag) =	ssettag $0x1  }
0x1: {  	s6 =	rddreg [dreg:$0x0]  }
0x2: {  	s0 =	stileid.u32;
	s1 =	srdreg.scid  }
0x3: {  	s2 =	rddreg [dreg:$0x1];
	s7 =	smul.u32 $0x5000, s0  }
0x4: {  	s3 =	rddreg [dreg:$0x2];
	s4 =	simm.s32 $0x0;
	s11 =	smul.u32 $0xA000, s0  }
0x5: {  	s16 =	simm.s32 $0x5000;
	s17 =	simm.s32 $0x80;
	s26 =	smul.u32 $0x29000, s0  }
0x6: {  	s18 =	simm.s32 $0xA000;
	s8 =	sand.u32 $0x1, s1;
	s14 =	smul.u32 $0x28000, s0  }
0x7: {  	s19 =	simm.s32 $0xE000;
	[smem:$0x7FF] =	sst s4;
	s9 =	smul.u32 $0x50000, s8  }
0x8: {  	s5 =	sadd.s32 $0x20200, s6;
	s25 =	sshll.u32 s0, $0x6;
	s10 =	smul.u32 $0xA0000, s8  }
0x9: {  	_ =	strace $0x80000047;
	s23 =	ssub.s32 $0x2, s8;
	s12 =	sshrl.u32 s7, $0x3  }
0xa: {  	s24 =	sshrl.u32 s23, $0x1;
	s28 =	sshrl.u32 s26, $0x2;
	s29 =	sshrl.u32 s14, $0x2  }
0xb: {  	s26 =	simm.s32 $0x0;
	s7 =	sadd.s32 s7, s9;
	s20 =	sadd.s32 s11, s10  }
0xc: {  	s21 =	sadd.s32 s12, s6;
	s13 =	ssub.s32 s23, s24;
	s12 =	sadd.s32 s28, s3  }
0xd: {  	s23 =	simm.s32 $0x9F00;
	s24 =	simm.s32 $0x9F80;
	s7 =	sshrl.u32 s7, $0x3  }
0xe: {  	s9 =	sshrl.u32 s20, $0x3;
	s10 =	smax.u32 s13, $0x1;
	s30 =	sadd.s32 $0x2900, s12  }
0xf: {  	s31 =	sadd.s32 $0x5200, s12;
	s15 =	sadd.s32 $0x7B00, s12;
	s11 =	sshrl.u32 s12, $0x3  }
0x10: {  	s12 =	simm.s32 $0x3;
	s20 =	simm.s32 $0x1;
	s22 =	sadd.s32 s7, s6  }
0x11: {  	s9 =	sadd.s32 s9, s6;
	s6 =	sor.u32 $0x1C03, s25;
	s7 =	sadd.s32 $0x16200, s21  }
0x12: {  	s25 =	sadd.s32 s29, s3;
	s13 =	sshrl.u32 s30, $0x3;
	s14 =	sshrl.u32 s31, $0x3  }
0x13: {  	s15 =	sshrl.u32 s15, $0x3;
	s21 =	simm.s32 $0x2;
	s8 =	sadd.s32 $0x2200, s22  }
0x14: {  	s9 =	sadd.s32 $0x48200, s9;
	s22 =	simm.s32 $0x4F80;
	s25 =	sshrl.u32 s25, $0x3  }
.LBB2_1:
0x15: {  	[spmem:s11], [sflag:s6] =	dma.local [hbm:s2], $0x520  }
0x16: {  	_ =	swait.ge [sflag:s12], $0x520  }
0x17: {  	[sflag:s12] =	ssyncset.done $0x0  }
0x18: {  	[sflag:s12] =	ssyncadd.s32 $0xFFFFFAE0  }
0x19: {  	[spmem:s13], [sflag:s6] =	dma.local [hbm:s2], $0x520  }
0x1a: {  	_ =	swait.ge [sflag:s12], $0x520  }
0x1b: {  	[sflag:s12] =	ssyncset.done $0x0  }
0x1c: {  	[sflag:s12] =	ssyncadd.s32 $0xFFFFFAE0  }
0x1d: {  	[spmem:s14], [sflag:s6] =	dma.local [hbm:s2], $0x520  }
0x1e: {  	_ =	swait.ge [sflag:s12], $0x520  }
0x1f: {  	[sflag:s12] =	ssyncset.done $0x0  }
0x20: {  	[sflag:s12] =	ssyncadd.s32 $0xFFFFFAE0  }
0x21: {  	[spmem:s15], [sflag:s6] =	dma.local [hbm:s2], $0x520  }
0x22: {  	_ =	swait.ge [sflag:s12], $0x520  }
0x23: {  	[sflag:s12] =	ssyncset.done $0x0  }
0x24: {  	[sflag:s12] =	ssyncadd.s32 $0xFFFFFAE0  }
0x25: {  	[tilespmem:s4], [sflag:$0x3] =	stream.linear.gather [hbm4b:s7+s4], $0x5000, $0x38;
	[tilespmem:$0x1C400] =	vst v63  }
0x26: {  	_ =	swait.ge [sflag:s12], $0x5000  }
0x27: {  	[sflag:s12] =	ssyncset.done $0x0  }
0x28: {  	[sflag:s12] =	ssyncadd.s32 $0xFFFFB000  }
0x29: {  	[tilespmem:s16], [sflag:$0x3] =	stream.linear.gather [hbm4b:s8+s4], $0x5000, $0x38;
	[tilespmem:$0x1C400] =	vst v63  }
0x2a: {  	_ =	swait.ge [sflag:s12], $0x5000  }
0x2b: {  	[sflag:s12] =	ssyncset.done $0x0  }
0x2c: {  	[sflag:s12] =	ssyncadd.s32 $0xFFFFB000  }
0x2d: {  	[bflag:$0x0] =	sbarrier.arrive $0xFFFF  }
0x2e: {  	[tilespmem:s18], [sflag:$0x1] =	stream.indirect.gather [hbm4b:s5+s17], $0x80, s4, s17, $0xb8;
	[tilespmem:$0x1C400] =	vst v63  }
0x2f: {  	s28 =	simm.s32 $0x80  }
0x30: {  	[tilespmem:s19], [sflag:$0x2] =	stream.indirect.gather [hbm4b:s5+s17], $0x80, s28, s17, $0xb8;
	[tilespmem:$0x1C400] =	vst v63  }
0x31: {  	_ =	swait.ge [sflag:s20], $0x4000  }
0x32: {  	[sflag:s20] =	ssyncset.done $0x0  }
0x33: {  	s28 =	simm.s32 $0x5000;
	[sflag:s20] =	ssyncadd.s32 $0xFFFFC000  }
0x34: {  	[spmem:s3] =	stream.indirect.scatter.add.f32 [tilespmem:s18], [sflag:$0x3], $0x80, s28, s17, $0xb8;
	[tilespmem:$0x1C400] =	vst v63  }
0x35: {  	_ =	swait.ge [sflag:s12], $0x4000  }
0x36: {  	[sflag:s12] =	ssyncset.done $0x0  }
0x37: {  	s28 =	simm.s32 $0x100;
	[sflag:s12] =	ssyncadd.s32 $0xFFFFC000  }
0x38: {  	[tilespmem:s18], [sflag:$0x1] =	stream.indirect.gather [hbm4b:s5+s17], $0x80, s28, s17, $0xb8;
	[tilespmem:$0x1C400] =	vst v63  }
0x39: {  	_ =	swait.ge [sflag:s21], $0x4000  }
0x3a: {  	[sflag:s21] =	ssyncset.done $0x0  }
0x3b: {  	s28 =	simm.s32 $0x5080;
	[sflag:s21] =	ssyncadd.s32 $0xFFFFC000  }
0x3c: {  	[spmem:s3] =	stream.indirect.scatter.add.f32 [tilespmem:s19], [sflag:$0x3], $0x80, s28, s17, $0xb8;
	[tilespmem:$0x1C400] =	vst v63  }
0x3d: {  	_ =	swait.ge [sflag:s12], $0x4000  }
0x3e: {  	s29 =	simm.s32 $0x800;
	s28 =	simm.s32 $0x100;
	[sflag:s12] =	ssyncset.done $0x0  }
.LBB2_2:
0x3f: {  	s30 =	sadd.s32 $0x80, s28  }
0x40: {  	[sflag:s12] =	ssyncadd.s32 $0xFFFFC000;
	s31 =	smov.u32 s29;
	s1 =	sadd.s32 $0x400, s29  }
0x41: {  	[tilespmem:s19], [sflag:$0x2] =	stream.indirect.gather [hbm4b:s5+s17], $0x80, s30, s17, $0xb8;
	[tilespmem:$0x1C400] =	vst v63  }
0x42: {  	p0 =	sne.s32 s29, $0x13800;
	_ =	swait.ge [sflag:s20], $0x4000  }
0x43: {  	[sflag:s20] =	ssyncset.done $0x0  }
0x44: {  	s29 =	sadd.s32 $0x5000, s28;
	[sflag:s20] =	ssyncadd.s32 $0xFFFFC000  }
0x45: {  	[spmem:s3] =	stream.indirect.scatter.add.f32 [tilespmem:s18], [sflag:$0x3], $0x80, s29, s17, $0xb8;
	[tilespmem:$0x1C400] =	vst v63  }
0x46: {  	_ =	swait.ge [sflag:s12], $0x4000  }
0x47: {  	[sflag:s12] =	ssyncset.done $0x0  }
0x48: {  	s29 =	sadd.s32 $0x100, s28;
	[sflag:s12] =	ssyncadd.s32 $0xFFFFC000  }
0x49: {  	[tilespmem:s18], [sflag:$0x1] =	stream.indirect.gather [hbm4b:s5+s17], $0x80, s29, s17, $0xb8;
	[tilespmem:$0x1C400] =	vst v63  }
0x4a: {  	_ =	swait.ge [sflag:s21], $0x4000  }
.Ltmp0:
0x4b: {  	[sflag:s21] =	ssyncset.done $0x0;
	(pc) =	sbr.rel @p0 .LBB2_2-.Ltmp0, $4  }
0x4c: {  	s28 =	sadd.s32 $0x5080, s28;
	[sflag:s21] =	ssyncadd.s32 $0xFFFFC000  }
0x4d: {  	[spmem:s3] =	stream.indirect.scatter.add.f32 [tilespmem:s19], [sflag:$0x3], $0x80, s28, s17, $0xb8;
	[tilespmem:$0x1C400] =	vst v63  }
0x4e: {  	_ =	swait.ge [sflag:s12], $0x4000  }
0x4f: {  	s29 =	smov.u32 s1;
	s28 =	sshra.s32 s31, $0x2;
	[sflag:s12] =	ssyncset.done $0x0  }
0x50: {  	s1 =	sadd.s32 $0x80, s28;
	[sflag:s12] =	ssyncadd.s32 $0xFFFFC000  }
0x51: {  	[tilespmem:s19], [sflag:$0x2] =	stream.indirect.gather [hbm4b:s5+s17], $0x80, s1, s17, $0xb8;
	[tilespmem:$0x1C400] =	vst v63  }
0x52: {  	_ =	swait.ge [sflag:s20], $0x4000  }
0x53: {  	[sflag:s20] =	ssyncset.done $0x0  }
0x54: {  	s29 =	sadd.s32 $0x5000, s28;
	[sflag:s20] =	ssyncadd.s32 $0xFFFFC000  }
0x55: {  	[spmem:s3] =	stream.indirect.scatter.add.f32 [tilespmem:s18], [sflag:$0x3], $0x80, s29, s17, $0xb8;
	[tilespmem:$0x1C400] =	vst v63  }
0x56: {  	_ =	swait.ge [sflag:s12], $0x4000  }
0x57: {  	[sflag:s12] =	ssyncset.done $0x0  }
0x58: {  	s30 =	sadd.s32 $0x100, s28;
	[sflag:s12] =	ssyncadd.s32 $0xFFFFC000  }
0x59: {  	[tilespmem:s18], [sflag:$0x1] =	stream.indirect.gather [hbm4b:s5+s17], $0x80, s30, s17, $0xb8;
	[tilespmem:$0x1C400] =	vst v63  }
0x5a: {  	_ =	swait.ge [sflag:s21], $0x4000  }
0x5b: {  	[sflag:s21] =	ssyncset.done $0x0  }
0x5c: {  	s31 =	sadd.s32 $0x5080, s28;
	[sflag:s21] =	ssyncadd.s32 $0xFFFFC000  }
0x5d: {  	[spmem:s3] =	stream.indirect.scatter.add.f32 [tilespmem:s19], [sflag:$0x3], $0x80, s31, s17, $0xb8;
	[tilespmem:$0x1C400] =	vst v63  }
0x5e: {  	_ =	swait.ge [sflag:s12], $0x4000  }
0x5f: {  	[sflag:s12] =	ssyncset.done $0x0  }
0x60: {  	[sflag:s12] =	ssyncadd.s32 $0xFFFFC000  }
0x61: {  	[tilespmem:s19], [sflag:$0x2] =	stream.indirect.gather [hbm4b:s5+s17], $0x80, s22, s17, $0xb8;
	[tilespmem:$0x1C400] =	vst v63  }
0x62: {  	_ =	swait.ge [sflag:s20], $0x4000  }
0x63: {  	[sflag:s20] =	ssyncset.done $0x0  }
0x64: {  	[sflag:s20] =	ssyncadd.s32 $0xFFFFC000  }
0x65: {  	[spmem:s3] =	stream.indirect.scatter.add.f32 [tilespmem:s18], [sflag:$0x3], $0x80, s23, s17, $0xb8;
	[tilespmem:$0x1C400] =	vst v63  }
0x66: {  	_ =	swait.ge [sflag:s12], $0x4000  }
0x67: {  	[sflag:s12] =	ssyncset.done $0x0  }
0x68: {  	[sflag:s12] =	ssyncadd.s32 $0xFFFFC000  }
0x69: {  	_ =	swait.ge [sflag:s21], $0x4000  }
0x6a: {  	[sflag:s21] =	ssyncset.done $0x0  }
0x6b: {  	[sflag:s21] =	ssyncadd.s32 $0xFFFFC000  }
0x6c: {  	[spmem:s3] =	stream.indirect.scatter.add.f32 [tilespmem:s19], [sflag:$0x3], $0x80, s24, s17, $0xb8;
	[tilespmem:$0x1C400] =	vst v63  }
0x6d: {  	_ =	swait.ge [sflag:s12], $0x4000  }
0x6e: {  	s26 =	sadd.s32 $0x1, s26;
	[sflag:s12] =	ssyncset.done $0x0  }
0x6f: {  	p0 =	sne.s32 s26, s10;
	[sflag:s12] =	ssyncadd.s32 $0xFFFFC000  }
.Ltmp1:
0x70: {  	[bflag:$0x0] =	sbarrier.arrive $0xFFFF;
	(pc) =	sbr.rel @p0 .LBB2_1-.Ltmp1, $4  }
0x71: {  	[hbm:s9], [sflag:s6] =	dma.local [spmem:s25], $0x1400  }
0x72: {  	_ =	swait.ge [sflag:s12], $0x1400  }
0x73: {  	[sflag:s12] =	ssyncset.done $0x0  }
0x74: {  	[sflag:s12] =	ssyncadd.s32 $0xFFFFEC00  }
0x75: {  	_ =	sfence.sel $0x180000  }
0x76: {  	[bflag:$0x0] =	sbarrier.arrive $0xFFFF  }
0x77: {  	_ =	strace $0x90000047  }
0x78: {  	[bflag:$0x2] =	sbarrier.arrive $0xFFFF  }
0x79: {  	p0 =	sne.s32 s0, $0x0;
	s0 =	rddreg [dreg:$0x3]  }
0x7a: {  	s0 =	sadd.s32 @!p0 $0x100000, s0  }
0x7b: {  	[sflag:s0] =	ssyncadd.tile.s32 @!p0 $0x1;
	_ =	shalt  }
.Lfunc_end2:
_tile_overlayer_lowered:
.L_overlay_start_2:
0x7c: {  	(tag) =	ssettag $0x2  }
0x7d: {  	s0 =	rddreg [dreg:$0x0];
	s2 =	stileid.u32  }
0x7e: {  	s1 =	rddreg [dreg:$0x1];
	p0 =	sne.s32 s2, $0x0  }
0x7f: {  	s3 =	rddreg [dreg:$0x2];
	[bflag:$0x3] =	sbarrier.arrive $0xFFFF;
	s2 =	simm.s32 @!p0 $0x1C03  }
0x80: {  	[timem:s3], [sflag:s2] =	dma.local @!p0 [hbm:s0], s1  }
0x81: {  	s0 =	simm.s32 @!p0 $0x3  }
0x82: {  	_ =	swait.ge @!p0 [sflag:s0], s1  }
0x83: {  	s1 =	ssub.s32 @!p0 $0x0, s1;
	[sflag:s0] =	ssyncset.done @!p0 $0x0  }
0x84: {  	[sflag:s0] =	ssyncadd.s32 @!p0 s1  }
0x85: {  	[bflag:$0x3] =	sbarrier.arrive $0xFFFF  }
0x86: {  	_ =	shalt  }

</sc_bundles>
